<compile_context>
chip_gen: v7x
topology: tpu7x:2x2x1
jax: 0.10.2.dev20260603
libtpu: 0.0.44.dev20260713+nightly
codegen_flags: <defaults>
</compile_context>

<pallas_src>
import functools

import jax
import jax.numpy as jnp
from jax import lax
from jax.experimental import pallas as pl
from jax.experimental.pallas import tpu as pltpu
from jax.experimental.pallas import tpu_sc as plsc

QB = 512
MB = 512
GCH = 128


def _rne_bf16(v):
    u = lax.bitcast_convert_type(v, jnp.uint32)
    r = (u + jnp.uint32(0x7FFF) + ((u >> jnp.uint32(16)) & jnp.uint32(1))) \
        & jnp.uint32(0xFFFF0000)
    return lax.bitcast_convert_type(r, jnp.float32)


def _knn_body(pos_t_ref, p_sq_ref, qaug_ref, idx_ref, wn_ref):
    n_c = pos_t_ref.shape[1]
    qb = qaug_ref.shape[0]
    qp2 = None
    for c in range(3):
        pc = _rne_bf16(pos_t_ref[c:c + 1, :])
        qc2 = _rne_bf16(qaug_ref[:, c:c + 1]) * (-2.0)
        qp2 = qc2 * pc if qp2 is None else qp2 + qc2 * pc
    q_sq = qaug_ref[:, 3:4]
    d2 = (q_sq + p_sq_ref[...]) + qp2

    iota = lax.broadcasted_iota(jnp.int32, (qb, n_c), 1)
    inf = jnp.float32(jnp.inf)
    d = d2
    ws, ims = [], []
    wsum = None
    for t in range(3):
        m = jnp.min(d, axis=1, keepdims=True)
        im = jnp.min(jnp.where(d == m, iota, n_c), axis=1, keepdims=True)
        w = 1.0 / jnp.maximum(m, 1e-16)
        ws.append(w)
        ims.append(im)
        wsum = w if wsum is None else wsum + w
        if t < 2:
            d = jnp.where(iota == im, inf, d)
    for t in range(3):
        idx_ref[:, t:t + 1] = ims[t]
        wn_ref[:, t:t + 1] = ws[t] / wsum


def _knn(pos_t_r, p_sq_row, qaug):
    n_c = pos_t_r.shape[1]
    n_f = qaug.shape[0]
    return pl.pallas_call(
        _knn_body,
        grid=(n_f // QB,),
        in_specs=[
            pl.BlockSpec((3, n_c), lambda i: (0, 0)),
            pl.BlockSpec((1, n_c), lambda i: (0, 0)),
            pl.BlockSpec((QB, 4), lambda i: (i, 0)),
        ],
        out_specs=[
            pl.BlockSpec((QB, 3), lambda i: (i, 0)),
            pl.BlockSpec((QB, 3), lambda i: (i, 0)),
        ],
        out_shape=[
            jax.ShapeDtypeStruct((n_f, 3), jnp.int32),
            jax.ShapeDtypeStruct((n_f, 3), jnp.float32),
        ],
    )(pos_t_r, p_sq_row, qaug)


@functools.cache
def _make_gather(n_c, n_f, d_in):
    info = plsc.get_sparse_core_info()
    n_cores = info.num_cores
    nw = n_cores * info.num_subcores
    bpw = n_f // nw
    nch = bpw // GCH
    mesh = plsc.VectorSubcoreMesh(core_axis_name="c", subcore_axis_name="s")

    @functools.partial(
        pl.kernel,
        out_type=jax.ShapeDtypeStruct((3 * n_f, d_in), jnp.float32),
        mesh=mesh,
        scratch_types=[
            pltpu.VMEM((3, GCH), jnp.int32),
            pltpu.VMEM((3, GCH, d_in), jnp.float32),
            pltpu.SemaphoreType.DMA,
            pltpu.SemaphoreType.DMA,
            pltpu.SemaphoreType.DMA,
        ],
    )
    def gather(x_hbm, idx_hbm, out_hbm, idx_v, rows_v, s0, s1, s2):
        wid = lax.axis_index("s") * n_cores + lax.axis_index("c")
        base = wid * bpw
        sems = (s0, s1, s2)

        def chunk(i, carry):
            qoff = base + i * GCH
            for j in range(3):
                pltpu.sync_copy(idx_hbm.at[pl.ds(j * n_f + qoff, GCH)],
                                idx_v.at[j])
            copies = [pltpu.async_copy(x_hbm.at[idx_v.at[j]], rows_v.at[j],
                                       sems[j]) for j in range(3)]
            for j in range(3):
                copies[j].wait()
                pltpu.sync_copy(rows_v.at[j],
                                out_hbm.at[pl.ds(j * n_f + qoff, GCH)])
            return carry

        lax.fori_loop(0, nch, chunk, 0)

    return gather


def _mlp_body(f0_ref, f1_ref, f2_ref, wn_ref, xs_ref, w1a_ref, w1b_ref,
              b1_ref, w2_ref, b2_ref, out_ref):
    y = None
    for t, f_ref in enumerate((f0_ref, f1_ref, f2_ref)):
        ft = f_ref[...]
        wt = wn_ref[:, t:t + 1]
        y = wt * ft if y is None else y + wt * ft
    h = (lax.dot_general(y, w1a_ref[...], (((1,), (0,)), ((), ())),
                         preferred_element_type=jnp.float32)
         + lax.dot_general(xs_ref[...], w1b_ref[...], (((1,), (0,)), ((), ())),
                           preferred_element_type=jnp.float32)
         + b1_ref[...])
    h = jnp.maximum(h, 0.0)
    out_ref[...] = (lax.dot_general(h, w2_ref[...], (((1,), (0,)), ((), ())),
                                    preferred_element_type=jnp.float32)
                    + b2_ref[...])


def _mlp(feats_flat, wn, x_skip, w1a, w1b, b1r, W2, b2r):
    n_f, d_skip = x_skip.shape
    d_in = w1a.shape[0]
    d_hid = w1a.shape[1]
    d_out = W2.shape[1]
    nb = n_f // MB
    return pl.pallas_call(
        _mlp_body,
        grid=(nb,),
        in_specs=[
            pl.BlockSpec((MB, d_in), lambda i: (i, 0)),
            pl.BlockSpec((MB, d_in), lambda i: (i + nb, 0)),
            pl.BlockSpec((MB, d_in), lambda i: (i + 2 * nb, 0)),
            pl.BlockSpec((MB, 3), lambda i: (i, 0)),
            pl.BlockSpec((MB, d_skip), lambda i: (i, 0)),
            pl.BlockSpec((d_in, d_hid), lambda i: (0, 0)),
            pl.BlockSpec((d_skip, d_hid), lambda i: (0, 0)),
            pl.BlockSpec((1, d_hid), lambda i: (0, 0)),
            pl.BlockSpec((d_hid, d_out), lambda i: (0, 0)),
            pl.BlockSpec((1, d_out), lambda i: (0, 0)),
        ],
        out_specs=pl.BlockSpec((MB, d_out), lambda i: (i, 0)),
        out_shape=jax.ShapeDtypeStruct((n_f, d_out), jnp.float32),
    )(feats_flat, feats_flat, feats_flat, wn, x_skip, w1a, w1b, b1r, W2, b2r)


def kernel(x, pos, batch, x_skip, pos_skip, batch_skip, W1, b1, W2, b2):
    n_c, d_in = x.shape
    n_f, d_skip = x_skip.shape
    d_hid = W1.shape[1]
    d_out = W2.shape[1]

    p_sq_row = jnp.sum(pos * pos, axis=-1)[None, :]
    q_sq = jnp.sum(pos_skip * pos_skip, axis=-1)
    qaug = jnp.concatenate([pos_skip, q_sq[:, None]], 1)
    idx, wn = _knn(pos.T, p_sq_row, qaug)
    feats_flat = _make_gather(n_c, n_f, d_in)(x, idx.T.reshape(3 * n_f))
    out = _mlp(feats_flat, wn, x_skip, W1[:d_in], W1[d_in:],
               b1.reshape(1, d_hid), W2, b2.reshape(1, d_out))
    return (out, pos_skip, batch_skip)

# --- scband reference (transcript-rebuilt; emitter-appended) ---
"""Pipeline reference for scband-fpmodule-28123445854321 (READ-ONLY COPY).

The authoritative reference and input builder live on the scoring server;
editing this copy changes nothing except your own understanding.
"""

import jax, jax.numpy as jnp
import numpy as np

N_COARSE = 8192
N_FINE = 32768
D_IN = 128
D_SKIP = 64
D_CAT = D_IN + D_SKIP
D_HID = 256
D_OUT = 128
K = 3


def setup_inputs(seed: int = 0) -> dict:
    key = jax.random.key(seed)
    ks = jax.random.split(key, 8)
    x = jax.random.normal(ks[0], (N_COARSE, D_IN), dtype=jnp.float32)
    pos = jax.random.uniform(ks[1], (N_COARSE, 3), dtype=jnp.float32)
    batch = jnp.zeros((N_COARSE,), dtype=jnp.int32)
    x_skip = jax.random.normal(ks[2], (N_FINE, D_SKIP), dtype=jnp.float32)
    pos_skip = jax.random.uniform(ks[3], (N_FINE, 3), dtype=jnp.float32)
    batch_skip = jnp.zeros((N_FINE,), dtype=jnp.int32)
    W1 = jax.random.normal(ks[4], (D_CAT, D_HID), dtype=jnp.float32) * 0.05
    b1 = jnp.zeros((D_HID,), dtype=jnp.float32)
    W2 = jax.random.normal(ks[5], (D_HID, D_OUT), dtype=jnp.float32) * 0.05
    b2 = jnp.zeros((D_OUT,), dtype=jnp.float32)
    return {"x": x, "pos": pos, "batch": batch, "x_skip": x_skip,
            "pos_skip": pos_skip, "batch_skip": batch_skip,
            "W1": W1, "b1": b1, "W2": W2, "b2": b2}


def knn_interpolate(x, pos, pos_skip, k=K, chunk=4096):
    # For each query point in pos_skip, find k nearest neighbors in pos
    # and interpolate features x with inverse squared-distance weights.
    p_sq = jnp.sum(pos * pos, axis=-1)  # [N_coarse]
    n = pos_skip.shape[0]
    outs = []
    for i in range(0, n, chunk):
        q = pos_skip[i:i + chunk]  # [c, 3]
        q_sq = jnp.sum(q * q, axis=-1)  # [c]
        d2 = q_sq[:, None] + p_sq[None, :] - 2.0 * (q @ pos.T)  # [c, N_coarse]
        neg_d2k, idx = jax.lax.top_k(-d2, k)  # nearest = largest negative dist
        d2k = jnp.maximum(-neg_d2k, 1e-16)  # [c, k]
        w = 1.0 / d2k
        feats = jnp.take(x, idx, axis=0)  # [c, k, D_IN] gather
        y = jnp.sum(feats * w[..., None], axis=1) / jnp.sum(w, axis=1, keepdims=True)
        outs.append(y)
    return jnp.concatenate(outs, axis=0)


def reference(x, pos, batch, x_skip, pos_skip, batch_skip, W1, b1, W2, b2):
    y = knn_interpolate(x, pos, pos_skip, k=K)
    h = jnp.concatenate([y, x_skip], axis=1)  # use_skip=True
    h = jax.nn.relu(h @ W1 + b1)
    out = h @ W2 + b2
    return (out, pos_skip, batch_skip)

if __name__ == "__main__":
    import jax
    _d = setup_inputs()
    print(jax.jit(kernel)(*tuple(_d.values())))

</pallas_src>

<mosaic_0001>
#map = affine_map<(d0, d1) -> (0, 0)>
#map1 = affine_map<(d0, d1) -> (0)>
module attributes {stable_mosaic.version = 14 : i64} {
  func.func @gather(%arg0: i32, %arg1: i32, %arg2: memref<8192x128xf32, #tpu.memory_space<hbm>>, %arg3: memref<98304xi32, #tpu.memory_space<hbm>>, %arg4: memref<98304x128xf32, #tpu.memory_space<hbm>>, %arg5: memref<3x128xi32, #tpu.memory_space<vmem>>, %arg6: memref<3x128x128xf32, #tpu.memory_space<vmem>>, %arg7: memref<!tpu.dma_semaphore, #tpu.memory_space<semaphore_mem>>, %arg8: memref<!tpu.dma_semaphore, #tpu.memory_space<semaphore_mem>>, %arg9: memref<!tpu.dma_semaphore, #tpu.memory_space<semaphore_mem>>) attributes {dimension_semantics = [#tpu.dimension_semantics<core_parallel>, #tpu.dimension_semantics<subcore_parallel>], iteration_bounds = array<i64: 2, 16>, scalar_prefetch = 0 : i64, scratch_operands = 5 : i64, tpu.core_type = #tpu.core_type<sc_vector_subcore>, window_params = [{transform_indices = #map}, {transform_indices = #map1}, {transform_indices = #map}]} {
    %mul3A = arith.constant 2 : i32
    %mul3A_0 = arith.muli %arg1, %mul3A : i32
    %add3A = arith.addi %mul3A_0, %arg0 : i32
    %mul3A_1 = arith.constant 1024 : i32
    %mul3A_2 = arith.muli %add3A, %mul3A_1 : i32
    %scan3A = arith.constant 0 : i32
    %scan3A_3 = arith.constant 0 : i32
    %scan3A_4 = arith.constant 8 : i32
    %scan3A_5 = arith.addi %scan3A_3, %scan3A_4 : i32
    %scan3A_6 = arith.constant 1 : i32
    scf.for %scan3A_8 = %scan3A_3 to %scan3A_5 step %scan3A_6  : i32 {
      %mul3A_9 = arith.constant 128 : i32
      %mul3A_10 = arith.muli %scan3A_8, %mul3A_9 : i32
      %add3A_11 = arith.addi %mul3A_2, %mul3A_10 : i32
      %add3A_12 = arith.constant 0 : i32
      %add3A_13 = arith.addi %add3A_12, %add3A_11 : i32
      %run_scoped3A = arith.constant 0 : i32
      "tpu.region"() ({
        %run_scoped3A_99 = tpu.sem_alloc : memref<!tpu.dma_semaphore, #tpu.memory_space<semaphore_mem>>
        %dma_start3A_100 = arith.constant 0 : i32
        %dma_start3A_101 = tpu.memref_slice %arg5[%run_scoped3A, %dma_start3A_100] : memref<3x128xi32, #tpu.memory_space<vmem>> -> memref<1x128xi32, #tpu.memory_space<vmem>>
        %dma_start3A_102 = tpu.memref_squeeze %dma_start3A_101 : memref<1x128xi32, #tpu.memory_space<vmem>> -> memref<128xi32, #tpu.memory_space<vmem>>
        %dma_start3A_103 = tpu.memref_slice %arg3[%add3A_13] : memref<98304xi32, #tpu.memory_space<hbm>> -> memref<128xi32, #tpu.memory_space<hbm>>
        %dma_start3A_104 = arith.constant 0 : i32
        %dma_start3A_105 = tpu.memref_slice %arg5[%run_scoped3A, %dma_start3A_104] : memref<3x128xi32, #tpu.memory_space<vmem>> -> memref<1x128xi32, #tpu.memory_space<vmem>>
        %dma_start3A_106 = tpu.memref_squeeze %dma_start3A_105 : memref<1x128xi32, #tpu.memory_space<vmem>> -> memref<128xi32, #tpu.memory_space<vmem>>
        %dma_start3A_107 = tpu.memref_slice %arg3[%add3A_13] : memref<98304xi32, #tpu.memory_space<hbm>> -> memref<128xi32, #tpu.memory_space<hbm>>
        tpu.enqueue_dma source(%dma_start3A_107 : memref<128xi32, #tpu.memory_space<hbm>>) target(%dma_start3A_106 : memref<128xi32, #tpu.memory_space<vmem>>) target_semaphore(%run_scoped3A_99 : memref<!tpu.dma_semaphore, #tpu.memory_space<semaphore_mem>>)
        %dma_wait3A_108 = arith.constant 0 : i32
        %dma_wait3A_109 = tpu.memref_slice %arg5[%run_scoped3A, %dma_wait3A_108] : memref<3x128xi32, #tpu.memory_space<vmem>> -> memref<1x128xi32, #tpu.memory_space<vmem>>
        %dma_wait3A_110 = tpu.memref_squeeze %dma_wait3A_109 : memref<1x128xi32, #tpu.memory_space<vmem>> -> memref<128xi32, #tpu.memory_space<vmem>>
        %dma_wait3A_111 = tpu.memref_slice %arg3[%add3A_13] : memref<98304xi32, #tpu.memory_space<hbm>> -> memref<128xi32, #tpu.memory_space<hbm>>
        %dma_wait3A_112 = arith.constant 0 : i32
        %dma_wait3A_113 = tpu.memref_slice %arg5[%run_scoped3A, %dma_wait3A_112] : memref<3x128xi32, #tpu.memory_space<vmem>> -> memref<1x128xi32, #tpu.memory_space<vmem>>
        %dma_wait3A_114 = tpu.memref_squeeze %dma_wait3A_113 : memref<1x128xi32, #tpu.memory_space<vmem>> -> memref<128xi32, #tpu.memory_space<vmem>>
        %dma_wait3A_115 = tpu.memref_slice %arg3[%add3A_13] : memref<98304xi32, #tpu.memory_space<hbm>> -> memref<128xi32, #tpu.memory_space<hbm>>
        tpu.wait_dma2 semaphore(%run_scoped3A_99 : memref<!tpu.dma_semaphore, #tpu.memory_space<semaphore_mem>>) src(%dma_wait3A_115 : memref<128xi32, #tpu.memory_space<hbm>>) dst(%dma_wait3A_114 : memref<128xi32, #tpu.memory_space<vmem>>)
        tpu.yield
      }) : () -> ()
      %add3A_14 = arith.constant 32768 : i32
      %add3A_15 = arith.addi %add3A_14, %add3A_11 : i32
      %run_scoped3A_16 = arith.constant 1 : i32
      "tpu.region"() ({
        %run_scoped3A_99 = tpu.sem_alloc : memref<!tpu.dma_semaphore, #tpu.memory_space<semaphore_mem>>
        %dma_start3A_100 = arith.constant 0 : i32
        %dma_start3A_101 = tpu.memref_slice %arg5[%run_scoped3A_16, %dma_start3A_100] : memref<3x128xi32, #tpu.memory_space<vmem>> -> memref<1x128xi32, #tpu.memory_space<vmem>>
        %dma_start3A_102 = tpu.memref_squeeze %dma_start3A_101 : memref<1x128xi32, #tpu.memory_space<vmem>> -> memref<128xi32, #tpu.memory_space<vmem>>
        %dma_start3A_103 = tpu.memref_slice %arg3[%add3A_15] : memref<98304xi32, #tpu.memory_space<hbm>> -> memref<128xi32, #tpu.memory_space<hbm>>
        %dma_start3A_104 = arith.constant 0 : i32
        %dma_start3A_105 = tpu.memref_slice %arg5[%run_scoped3A_16, %dma_start3A_104] : memref<3x128xi32, #tpu.memory_space<vmem>> -> memref<1x128xi32, #tpu.memory_space<vmem>>
        %dma_start3A_106 = tpu.memref_squeeze %dma_start3A_105 : memref<1x128xi32, #tpu.memory_space<vmem>> -> memref<128xi32, #tpu.memory_space<vmem>>
        %dma_start3A_107 = tpu.memref_slice %arg3[%add3A_15] : memref<98304xi32, #tpu.memory_space<hbm>> -> memref<128xi32, #tpu.memory_space<hbm>>
        tpu.enqueue_dma source(%dma_start3A_107 : memref<128xi32, #tpu.memory_space<hbm>>) target(%dma_start3A_106 : memref<128xi32, #tpu.memory_space<vmem>>) target_semaphore(%run_scoped3A_99 : memref<!tpu.dma_semaphore, #tpu.memory_space<semaphore_mem>>)
        %dma_wait3A_108 = arith.constant 0 : i32
        %dma_wait3A_109 = tpu.memref_slice %arg5[%run_scoped3A_16, %dma_wait3A_108] : memref<3x128xi32, #tpu.memory_space<vmem>> -> memref<1x128xi32, #tpu.memory_space<vmem>>
        %dma_wait3A_110 = tpu.memref_squeeze %dma_wait3A_109 : memref<1x128xi32, #tpu.memory_space<vmem>> -> memref<128xi32, #tpu.memory_space<vmem>>
        %dma_wait3A_111 = tpu.memref_slice %arg3[%add3A_15] : memref<98304xi32, #tpu.memory_space<hbm>> -> memref<128xi32, #tpu.memory_space<hbm>>
        %dma_wait3A_112 = arith.constant 0 : i32
        %dma_wait3A_113 = tpu.memref_slice %arg5[%run_scoped3A_16, %dma_wait3A_112] : memref<3x128xi32, #tpu.memory_space<vmem>> -> memref<1x128xi32, #tpu.memory_space<vmem>>
        %dma_wait3A_114 = tpu.memref_squeeze %dma_wait3A_113 : memref<1x128xi32, #tpu.memory_space<vmem>> -> memref<128xi32, #tpu.memory_space<vmem>>
        %dma_wait3A_115 = tpu.memref_slice %arg3[%add3A_15] : memref<98304xi32, #tpu.memory_space<hbm>> -> memref<128xi32, #tpu.memory_space<hbm>>
        tpu.wait_dma2 semaphore(%run_scoped3A_99 : memref<!tpu.dma_semaphore, #tpu.memory_space<semaphore_mem>>) src(%dma_wait3A_115 : memref<128xi32, #tpu.memory_space<hbm>>) dst(%dma_wait3A_114 : memref<128xi32, #tpu.memory_space<vmem>>)
        tpu.yield
      }) : () -> ()
      %add3A_17 = arith.constant 65536 : i32
      %add3A_18 = arith.addi %add3A_17, %add3A_11 : i32
      %run_scoped3A_19 = arith.constant 2 : i32
      "tpu.region"() ({
        %run_scoped3A_99 = tpu.sem_alloc : memref<!tpu.dma_semaphore, #tpu.memory_space<semaphore_mem>>
        %dma_start3A_100 = arith.constant 0 : i32
        %dma_start3A_101 = tpu.memref_slice %arg5[%run_scoped3A_19, %dma_start3A_100] : memref<3x128xi32, #tpu.memory_space<vmem>> -> memref<1x128xi32, #tpu.memory_space<vmem>>
        %dma_start3A_102 = tpu.memref_squeeze %dma_start3A_101 : memref<1x128xi32, #tpu.memory_space<vmem>> -> memref<128xi32, #tpu.memory_space<vmem>>
        %dma_start3A_103 = tpu.memref_slice %arg3[%add3A_18] : memref<98304xi32, #tpu.memory_space<hbm>> -> memref<128xi32, #tpu.memory_space<hbm>>
        %dma_start3A_104 = arith.constant 0 : i32
        %dma_start3A_105 = tpu.memref_slice %arg5[%run_scoped3A_19, %dma_start3A_104] : memref<3x128xi32, #tpu.memory_space<vmem>> -> memref<1x128xi32, #tpu.memory_space<vmem>>
        %dma_start3A_106 = tpu.memref_squeeze %dma_start3A_105 : memref<1x128xi32, #tpu.memory_space<vmem>> -> memref<128xi32, #tpu.memory_space<vmem>>
        %dma_start3A_107 = tpu.memref_slice %arg3[%add3A_18] : memref<98304xi32, #tpu.memory_space<hbm>> -> memref<128xi32, #tpu.memory_space<hbm>>
        tpu.enqueue_dma source(%dma_start3A_107 : memref<128xi32, #tpu.memory_space<hbm>>) target(%dma_start3A_106 : memref<128xi32, #tpu.memory_space<vmem>>) target_semaphore(%run_scoped3A_99 : memref<!tpu.dma_semaphore, #tpu.memory_space<semaphore_mem>>)
        %dma_wait3A_108 = arith.constant 0 : i32
        %dma_wait3A_109 = tpu.memref_slice %arg5[%run_scoped3A_19, %dma_wait3A_108] : memref<3x128xi32, #tpu.memory_space<vmem>> -> memref<1x128xi32, #tpu.memory_space<vmem>>
        %dma_wait3A_110 = tpu.memref_squeeze %dma_wait3A_109 : memref<1x128xi32, #tpu.memory_space<vmem>> -> memref<128xi32, #tpu.memory_space<vmem>>
        %dma_wait3A_111 = tpu.memref_slice %arg3[%add3A_18] : memref<98304xi32, #tpu.memory_space<hbm>> -> memref<128xi32, #tpu.memory_space<hbm>>
        %dma_wait3A_112 = arith.constant 0 : i32
        %dma_wait3A_113 = tpu.memref_slice %arg5[%run_scoped3A_19, %dma_wait3A_112] : memref<3x128xi32, #tpu.memory_space<vmem>> -> memref<1x128xi32, #tpu.memory_space<vmem>>
        %dma_wait3A_114 = tpu.memref_squeeze %dma_wait3A_113 : memref<1x128xi32, #tpu.memory_space<vmem>> -> memref<128xi32, #tpu.memory_space<vmem>>
        %dma_wait3A_115 = tpu.memref_slice %arg3[%add3A_18] : memref<98304xi32, #tpu.memory_space<hbm>> -> memref<128xi32, #tpu.memory_space<hbm>>
        tpu.wait_dma2 semaphore(%run_scoped3A_99 : memref<!tpu.dma_semaphore, #tpu.memory_space<semaphore_mem>>) src(%dma_wait3A_115 : memref<128xi32, #tpu.memory_space<hbm>>) dst(%dma_wait3A_114 : memref<128xi32, #tpu.memory_space<vmem>>)
        tpu.yield
      }) : () -> ()
      %dma_start3A = arith.constant 0 : i32
      %dma_start3A_20 = arith.constant 0 : i32
      %dma_start3A_21 = arith.constant 0 : i32
      %dma_start3A_22 = arith.constant 0 : i32
      %dma_start3A_23 = tpu.memref_slice %arg6[%dma_start3A_20, %dma_start3A_21, %dma_start3A_22] : memref<3x128x128xf32, #tpu.memory_space<vmem>> -> memref<1x128x128xf32, #tpu.memory_space<vmem>>
      %dma_start3A_24 = tpu.memref_squeeze %dma_start3A_23 : memref<1x128x128xf32, #tpu.memory_space<vmem>> -> memref<128x128xf32, #tpu.memory_space<vmem>>
      %dma_start3A_25 = arith.constant 0 : i32
      %dma_start3A_26 = tpu.memref_slice %arg5[%dma_start3A, %dma_start3A_25] : memref<3x128xi32, #tpu.memory_space<vmem>> -> memref<1x128xi32, #tpu.memory_space<vmem>>
      %dma_start3A_27 = tpu.memref_squeeze %dma_start3A_26 : memref<1x128xi32, #tpu.memory_space<vmem>> -> memref<128xi32, #tpu.memory_space<vmem>>
      %dma_start3A_28 = arith.constant 0 : i32
      %dma_start3A_29 = arith.constant 0 : i32
      %dma_start3A_30 = tpu.memref_slice %arg2[%dma_start3A_28, %dma_start3A_29] : memref<8192x128xf32, #tpu.memory_space<hbm>> -> memref<8192x128xf32, #tpu.memory_space<hbm>>
      tpu.enqueue_indirect_dma source(%dma_start3A_30 : memref<8192x128xf32, #tpu.memory_space<hbm>>) target(%dma_start3A_24 : memref<128x128xf32, #tpu.memory_space<vmem>>) offsets(%dma_start3A_27 : memref<128xi32, #tpu.memory_space<vmem>>) semaphore(%arg7 : memref<!tpu.dma_semaphore, #tpu.memory_space<semaphore_mem>>)
      %dma_start3A_31 = arith.constant 1 : i32
      %dma_start3A_32 = arith.constant 1 : i32
      %dma_start3A_33 = arith.constant 0 : i32
      %dma_start3A_34 = arith.constant 0 : i32
      %dma_start3A_35 = tpu.memref_slice %arg6[%dma_start3A_32, %dma_start3A_33, %dma_start3A_34] : memref<3x128x128xf32, #tpu.memory_space<vmem>> -> memref<1x128x128xf32, #tpu.memory_space<vmem>>
      %dma_start3A_36 = tpu.memref_squeeze %dma_start3A_35 : memref<1x128x128xf32, #tpu.memory_space<vmem>> -> memref<128x128xf32, #tpu.memory_space<vmem>>
      %dma_start3A_37 = arith.constant 0 : i32
      %dma_start3A_38 = tpu.memref_slice %arg5[%dma_start3A_31, %dma_start3A_37] : memref<3x128xi32, #tpu.memory_space<vmem>> -> memref<1x128xi32, #tpu.memory_space<vmem>>
      %dma_start3A_39 = tpu.memref_squeeze %dma_start3A_38 : memref<1x128xi32, #tpu.memory_space<vmem>> -> memref<128xi32, #tpu.memory_space<vmem>>
      %dma_start3A_40 = arith.constant 0 : i32
      %dma_start3A_41 = arith.constant 0 : i32
      %dma_start3A_42 = tpu.memref_slice %arg2[%dma_start3A_40, %dma_start3A_41] : memref<8192x128xf32, #tpu.memory_space<hbm>> -> memref<8192x128xf32, #tpu.memory_space<hbm>>
      tpu.enqueue_indirect_dma source(%dma_start3A_42 : memref<8192x128xf32, #tpu.memory_space<hbm>>) target(%dma_start3A_36 : memref<128x128xf32, #tpu.memory_space<vmem>>) offsets(%dma_start3A_39 : memref<128xi32, #tpu.memory_space<vmem>>) semaphore(%arg8 : memref<!tpu.dma_semaphore, #tpu.memory_space<semaphore_mem>>)
      %dma_start3A_43 = arith.constant 2 : i32
      %dma_start3A_44 = arith.constant 2 : i32
      %dma_start3A_45 = arith.constant 0 : i32
      %dma_start3A_46 = arith.constant 0 : i32
      %dma_start3A_47 = tpu.memref_slice %arg6[%dma_start3A_44, %dma_start3A_45, %dma_start3A_46] : memref<3x128x128xf32, #tpu.memory_space<vmem>> -> memref<1x128x128xf32, #tpu.memory_space<vmem>>
      %dma_start3A_48 = tpu.memref_squeeze %dma_start3A_47 : memref<1x128x128xf32, #tpu.memory_space<vmem>> -> memref<128x128xf32, #tpu.memory_space<vmem>>
      %dma_start3A_49 = arith.constant 0 : i32
      %dma_start3A_50 = tpu.memref_slice %arg5[%dma_start3A_43, %dma_start3A_49] : memref<3x128xi32, #tpu.memory_space<vmem>> -> memref<1x128xi32, #tpu.memory_space<vmem>>
      %dma_start3A_51 = tpu.memref_squeeze %dma_start3A_50 : memref<1x128xi32, #tpu.memory_space<vmem>> -> memref<128xi32, #tpu.memory_space<vmem>>
      %dma_start3A_52 = arith.constant 0 : i32
      %dma_start3A_53 = arith.constant 0 : i32
      %dma_start3A_54 = tpu.memref_slice %arg2[%dma_start3A_52, %dma_start3A_53] : memref<8192x128xf32, #tpu.memory_space<hbm>> -> memref<8192x128xf32, #tpu.memory_space<hbm>>
      tpu.enqueue_indirect_dma source(%dma_start3A_54 : memref<8192x128xf32, #tpu.memory_space<hbm>>) target(%dma_start3A_48 : memref<128x128xf32, #tpu.memory_space<vmem>>) offsets(%dma_start3A_51 : memref<128xi32, #tpu.memory_space<vmem>>) semaphore(%arg9 : memref<!tpu.dma_semaphore, #tpu.memory_space<semaphore_mem>>)
      %dma_wait3A = arith.constant 0 : i32
      %dma_wait3A_55 = arith.constant 0 : i32
      %dma_wait3A_56 = arith.constant 0 : i32
      %dma_wait3A_57 = arith.constant 0 : i32
      %dma_wait3A_58 = tpu.memref_slice %arg6[%dma_wait3A_55, %dma_wait3A_56, %dma_wait3A_57] : memref<3x128x128xf32, #tpu.memory_space<vmem>> -> memref<1x128x128xf32, #tpu.memory_space<vmem>>
      %dma_wait3A_59 = tpu.memref_squeeze %dma_wait3A_58 : memref<1x128x128xf32, #tpu.memory_space<vmem>> -> memref<128x128xf32, #tpu.memory_space<vmem>>
      %dma_wait3A_60 = arith.constant 0 : i32
      %dma_wait3A_61 = tpu.memref_slice %arg5[%dma_wait3A, %dma_wait3A_60] : memref<3x128xi32, #tpu.memory_space<vmem>> -> memref<1x128xi32, #tpu.memory_space<vmem>>
      %dma_wait3A_62 = tpu.memref_squeeze %dma_wait3A_61 : memref<1x128xi32, #tpu.memory_space<vmem>> -> memref<128xi32, #tpu.memory_space<vmem>>
      %dma_wait3A_63 = arith.constant 0 : i32
      %dma_wait3A_64 = arith.constant 0 : i32
      %dma_wait3A_65 = tpu.memref_slice %arg2[%dma_wait3A_63, %dma_wait3A_64] : memref<8192x128xf32, #tpu.memory_space<hbm>> -> memref<8192x128xf32, #tpu.memory_space<hbm>>
      tpu.wait_indirect_dma semaphore(%arg7 : memref<!tpu.dma_semaphore, #tpu.memory_space<semaphore_mem>>) src(%dma_wait3A_65 : memref<8192x128xf32, #tpu.memory_space<hbm>>) dst(%dma_wait3A_59 : memref<128x128xf32, #tpu.memory_space<vmem>>)
      %add3A_66 = arith.constant 0 : i32
      %add3A_67 = arith.addi %add3A_66, %add3A_11 : i32
      %run_scoped3A_68 = arith.constant 0 : i32
      "tpu.region"() ({
        %run_scoped3A_99 = tpu.sem_alloc : memref<!tpu.dma_semaphore, #tpu.memory_space<semaphore_mem>>
        %dma_start3A_100 = arith.constant 0 : i32
        %dma_start3A_101 = arith.constant 0 : i32
        %dma_start3A_102 = tpu.memref_slice %arg6[%run_scoped3A_68, %dma_start3A_100, %dma_start3A_101] : memref<3x128x128xf32, #tpu.memory_space<vmem>> -> memref<1x128x128xf32, #tpu.memory_space<vmem>>
        %dma_start3A_103 = tpu.memref_squeeze %dma_start3A_102 : memref<1x128x128xf32, #tpu.memory_space<vmem>> -> memref<128x128xf32, #tpu.memory_space<vmem>>
        %dma_start3A_104 = arith.constant 0 : i32
        %dma_start3A_105 = tpu.memref_slice %arg4[%add3A_67, %dma_start3A_104] : memref<98304x128xf32, #tpu.memory_space<hbm>> -> memref<128x128xf32, #tpu.memory_space<hbm>>
        %dma_start3A_106 = arith.constant 0 : i32
        %dma_start3A_107 = tpu.memref_slice %arg4[%add3A_67, %dma_start3A_106] : memref<98304x128xf32, #tpu.memory_space<hbm>> -> memref<128x128xf32, #tpu.memory_space<hbm>>
        %dma_start3A_108 = arith.constant 0 : i32
        %dma_start3A_109 = arith.constant 0 : i32
        %dma_start3A_110 = tpu.memref_slice %arg6[%run_scoped3A_68, %dma_start3A_108, %dma_start3A_109] : memref<3x128x128xf32, #tpu.memory_space<vmem>> -> memref<1x128x128xf32, #tpu.memory_space<vmem>>
        %dma_start3A_111 = tpu.memref_squeeze %dma_start3A_110 : memref<1x128x128xf32, #tpu.memory_space<vmem>> -> memref<128x128xf32, #tpu.memory_space<vmem>>
        tpu.enqueue_dma source(%dma_start3A_111 : memref<128x128xf32, #tpu.memory_space<vmem>>) target(%dma_start3A_107 : memref<128x128xf32, #tpu.memory_space<hbm>>) target_semaphore(%run_scoped3A_99 : memref<!tpu.dma_semaphore, #tpu.memory_space<semaphore_mem>>)
        %dma_wait3A_112 = arith.constant 0 : i32
        %dma_wait3A_113 = arith.constant 0 : i32
        %dma_wait3A_114 = tpu.memref_slice %arg6[%run_scoped3A_68, %dma_wait3A_112, %dma_wait3A_113] : memref<3x128x128xf32, #tpu.memory_space<vmem>> -> memref<1x128x128xf32, #tpu.memory_space<vmem>>
        %dma_wait3A_115 = tpu.memref_squeeze %dma_wait3A_114 : memref<1x128x128xf32, #tpu.memory_space<vmem>> -> memref<128x128xf32, #tpu.memory_space<vmem>>
        %dma_wait3A_116 = arith.constant 0 : i32
        %dma_wait3A_117 = tpu.memref_slice %arg4[%add3A_67, %dma_wait3A_116] : memref<98304x128xf32, #tpu.memory_space<hbm>> -> memref<128x128xf32, #tpu.memory_space<hbm>>
        %dma_wait3A_118 = arith.constant 0 : i32
        %dma_wait3A_119 = tpu.memref_slice %arg4[%add3A_67, %dma_wait3A_118] : memref<98304x128xf32, #tpu.memory_space<hbm>> -> memref<128x128xf32, #tpu.memory_space<hbm>>
        %dma_wait3A_120 = arith.constant 0 : i32
        %dma_wait3A_121 = arith.constant 0 : i32
        %dma_wait3A_122 = tpu.memref_slice %arg6[%run_scoped3A_68, %dma_wait3A_120, %dma_wait3A_121] : memref<3x128x128xf32, #tpu.memory_space<vmem>> -> memref<1x128x128xf32, #tpu.memory_space<vmem>>
        %dma_wait3A_123 = tpu.memref_squeeze %dma_wait3A_122 : memref<1x128x128xf32, #tpu.memory_space<vmem>> -> memref<128x128xf32, #tpu.memory_space<vmem>>
        tpu.wait_dma2 semaphore(%run_scoped3A_99 : memref<!tpu.dma_semaphore, #tpu.memory_space<semaphore_mem>>) src(%dma_wait3A_123 : memref<128x128xf32, #tpu.memory_space<vmem>>) dst(%dma_wait3A_119 : memref<128x128xf32, #tpu.memory_space<hbm>>)
        tpu.yield
      }) : () -> ()
      %dma_wait3A_69 = arith.constant 1 : i32
      %dma_wait3A_70 = arith.constant 1 : i32
      %dma_wait3A_71 = arith.constant 0 : i32
      %dma_wait3A_72 = arith.constant 0 : i32
      %dma_wait3A_73 = tpu.memref_slice %arg6[%dma_wait3A_70, %dma_wait3A_71, %dma_wait3A_72] : memref<3x128x128xf32, #tpu.memory_space<vmem>> -> memref<1x128x128xf32, #tpu.memory_space<vmem>>
      %dma_wait3A_74 = tpu.memref_squeeze %dma_wait3A_73 : memref<1x128x128xf32, #tpu.memory_space<vmem>> -> memref<128x128xf32, #tpu.memory_space<vmem>>
      %dma_wait3A_75 = arith.constant 0 : i32
      %dma_wait3A_76 = tpu.memref_slice %arg5[%dma_wait3A_69, %dma_wait3A_75] : memref<3x128xi32, #tpu.memory_space<vmem>> -> memref<1x128xi32, #tpu.memory_space<vmem>>
      %dma_wait3A_77 = tpu.memref_squeeze %dma_wait3A_76 : memref<1x128xi32, #tpu.memory_space<vmem>> -> memref<128xi32, #tpu.memory_space<vmem>>
      %dma_wait3A_78 = arith.constant 0 : i32
      %dma_wait3A_79 = arith.constant 0 : i32
      %dma_wait3A_80 = tpu.memref_slice %arg2[%dma_wait3A_78, %dma_wait3A_79] : memref<8192x128xf32, #tpu.memory_space<hbm>> -> memref<8192x128xf32, #tpu.memory_space<hbm>>
      tpu.wait_indirect_dma semaphore(%arg8 : memref<!tpu.dma_semaphore, #tpu.memory_space<semaphore_mem>>) src(%dma_wait3A_80 : memref<8192x128xf32, #tpu.memory_space<hbm>>) dst(%dma_wait3A_74 : memref<128x128xf32, #tpu.memory_space<vmem>>)
      %add3A_81 = arith.constant 32768 : i32
      %add3A_82 = arith.addi %add3A_81, %add3A_11 : i32
      %run_scoped3A_83 = arith.constant 1 : i32
      "tpu.region"() ({
        %run_scoped3A_99 = tpu.sem_alloc : memref<!tpu.dma_semaphore, #tpu.memory_space<semaphore_mem>>
        %dma_start3A_100 = arith.constant 0 : i32
        %dma_start3A_101 = arith.constant 0 : i32
        %dma_start3A_102 = tpu.memref_slice %arg6[%run_scoped3A_83, %dma_start3A_100, %dma_start3A_101] : memref<3x128x128xf32, #tpu.memory_space<vmem>> -> memref<1x128x128xf32, #tpu.memory_space<vmem>>
        %dma_start3A_103 = tpu.memref_squeeze %dma_start3A_102 : memref<1x128x128xf32, #tpu.memory_space<vmem>> -> memref<128x128xf32, #tpu.memory_space<vmem>>
        %dma_start3A_104 = arith.constant 0 : i32
        %dma_start3A_105 = tpu.memref_slice %arg4[%add3A_82, %dma_start3A_104] : memref<98304x128xf32, #tpu.memory_space<hbm>> -> memref<128x128xf32, #tpu.memory_space<hbm>>
        %dma_start3A_106 = arith.constant 0 : i32
        %dma_start3A_107 = tpu.memref_slice %arg4[%add3A_82, %dma_start3A_106] : memref<98304x128xf32, #tpu.memory_space<hbm>> -> memref<128x128xf32, #tpu.memory_space<hbm>>
        %dma_start3A_108 = arith.constant 0 : i32
        %dma_start3A_109 = arith.constant 0 : i32
        %dma_start3A_110 = tpu.memref_slice %arg6[%run_scoped3A_83, %dma_start3A_108, %dma_start3A_109] : memref<3x128x128xf32, #tpu.memory_space<vmem>> -> memref<1x128x128xf32, #tpu.memory_space<vmem>>
        %dma_start3A_111 = tpu.memref_squeeze %dma_start3A_110 : memref<1x128x128xf32, #tpu.memory_space<vmem>> -> memref<128x128xf32, #tpu.memory_space<vmem>>
        tpu.enqueue_dma source(%dma_start3A_111 : memref<128x128xf32, #tpu.memory_space<vmem>>) target(%dma_start3A_107 : memref<128x128xf32, #tpu.memory_space<hbm>>) target_semaphore(%run_scoped3A_99 : memref<!tpu.dma_semaphore, #tpu.memory_space<semaphore_mem>>)
        %dma_wait3A_112 = arith.constant 0 : i32
        %dma_wait3A_113 = arith.constant 0 : i32
        %dma_wait3A_114 = tpu.memref_slice %arg6[%run_scoped3A_83, %dma_wait3A_112, %dma_wait3A_113] : memref<3x128x128xf32, #tpu.memory_space<vmem>> -> memref<1x128x128xf32, #tpu.memory_space<vmem>>
        %dma_wait3A_115 = tpu.memref_squeeze %dma_wait3A_114 : memref<1x128x128xf32, #tpu.memory_space<vmem>> -> memref<128x128xf32, #tpu.memory_space<vmem>>
        %dma_wait3A_116 = arith.constant 0 : i32
        %dma_wait3A_117 = tpu.memref_slice %arg4[%add3A_82, %dma_wait3A_116] : memref<98304x128xf32, #tpu.memory_space<hbm>> -> memref<128x128xf32, #tpu.memory_space<hbm>>
        %dma_wait3A_118 = arith.constant 0 : i32
        %dma_wait3A_119 = tpu.memref_slice %arg4[%add3A_82, %dma_wait3A_118] : memref<98304x128xf32, #tpu.memory_space<hbm>> -> memref<128x128xf32, #tpu.memory_space<hbm>>
        %dma_wait3A_120 = arith.constant 0 : i32
        %dma_wait3A_121 = arith.constant 0 : i32
        %dma_wait3A_122 = tpu.memref_slice %arg6[%run_scoped3A_83, %dma_wait3A_120, %dma_wait3A_121] : memref<3x128x128xf32, #tpu.memory_space<vmem>> -> memref<1x128x128xf32, #tpu.memory_space<vmem>>
        %dma_wait3A_123 = tpu.memref_squeeze %dma_wait3A_122 : memref<1x128x128xf32, #tpu.memory_space<vmem>> -> memref<128x128xf32, #tpu.memory_space<vmem>>
        tpu.wait_dma2 semaphore(%run_scoped3A_99 : memref<!tpu.dma_semaphore, #tpu.memory_space<semaphore_mem>>) src(%dma_wait3A_123 : memref<128x128xf32, #tpu.memory_space<vmem>>) dst(%dma_wait3A_119 : memref<128x128xf32, #tpu.memory_space<hbm>>)
        tpu.yield
      }) : () -> ()
      %dma_wait3A_84 = arith.constant 2 : i32
      %dma_wait3A_85 = arith.constant 2 : i32
      %dma_wait3A_86 = arith.constant 0 : i32
      %dma_wait3A_87 = arith.constant 0 : i32
      %dma_wait3A_88 = tpu.memref_slice %arg6[%dma_wait3A_85, %dma_wait3A_86, %dma_wait3A_87] : memref<3x128x128xf32, #tpu.memory_space<vmem>> -> memref<1x128x128xf32, #tpu.memory_space<vmem>>
      %dma_wait3A_89 = tpu.memref_squeeze %dma_wait3A_88 : memref<1x128x128xf32, #tpu.memory_space<vmem>> -> memref<128x128xf32, #tpu.memory_space<vmem>>
      %dma_wait3A_90 = arith.constant 0 : i32
      %dma_wait3A_91 = tpu.memref_slice %arg5[%dma_wait3A_84, %dma_wait3A_90] : memref<3x128xi32, #tpu.memory_space<vmem>> -> memref<1x128xi32, #tpu.memory_space<vmem>>
      %dma_wait3A_92 = tpu.memref_squeeze %dma_wait3A_91 : memref<1x128xi32, #tpu.memory_space<vmem>> -> memref<128xi32, #tpu.memory_space<vmem>>
      %dma_wait3A_93 = arith.constant 0 : i32
      %dma_wait3A_94 = arith.constant 0 : i32
      %dma_wait3A_95 = tpu.memref_slice %arg2[%dma_wait3A_93, %dma_wait3A_94] : memref<8192x128xf32, #tpu.memory_space<hbm>> -> memref<8192x128xf32, #tpu.memory_space<hbm>>
      tpu.wait_indirect_dma semaphore(%arg9 : memref<!tpu.dma_semaphore, #tpu.memory_space<semaphore_mem>>) src(%dma_wait3A_95 : memref<8192x128xf32, #tpu.memory_space<hbm>>) dst(%dma_wait3A_89 : memref<128x128xf32, #tpu.memory_space<vmem>>)
      %add3A_96 = arith.constant 65536 : i32
      %add3A_97 = arith.addi %add3A_96, %add3A_11 : i32
      %run_scoped3A_98 = arith.constant 2 : i32
      "tpu.region"() ({
        %run_scoped3A_99 = tpu.sem_alloc : memref<!tpu.dma_semaphore, #tpu.memory_space<semaphore_mem>>
        %dma_start3A_100 = arith.constant 0 : i32
        %dma_start3A_101 = arith.constant 0 : i32
        %dma_start3A_102 = tpu.memref_slice %arg6[%run_scoped3A_98, %dma_start3A_100, %dma_start3A_101] : memref<3x128x128xf32, #tpu.memory_space<vmem>> -> memref<1x128x128xf32, #tpu.memory_space<vmem>>
        %dma_start3A_103 = tpu.memref_squeeze %dma_start3A_102 : memref<1x128x128xf32, #tpu.memory_space<vmem>> -> memref<128x128xf32, #tpu.memory_space<vmem>>
        %dma_start3A_104 = arith.constant 0 : i32
        %dma_start3A_105 = tpu.memref_slice %arg4[%add3A_97, %dma_start3A_104] : memref<98304x128xf32, #tpu.memory_space<hbm>> -> memref<128x128xf32, #tpu.memory_space<hbm>>
        %dma_start3A_106 = arith.constant 0 : i32
        %dma_start3A_107 = tpu.memref_slice %arg4[%add3A_97, %dma_start3A_106] : memref<98304x128xf32, #tpu.memory_space<hbm>> -> memref<128x128xf32, #tpu.memory_space<hbm>>
        %dma_start3A_108 = arith.constant 0 : i32
        %dma_start3A_109 = arith.constant 0 : i32
        %dma_start3A_110 = tpu.memref_slice %arg6[%run_scoped3A_98, %dma_start3A_108, %dma_start3A_109] : memref<3x128x128xf32, #tpu.memory_space<vmem>> -> memref<1x128x128xf32, #tpu.memory_space<vmem>>
        %dma_start3A_111 = tpu.memref_squeeze %dma_start3A_110 : memref<1x128x128xf32, #tpu.memory_space<vmem>> -> memref<128x128xf32, #tpu.memory_space<vmem>>
        tpu.enqueue_dma source(%dma_start3A_111 : memref<128x128xf32, #tpu.memory_space<vmem>>) target(%dma_start3A_107 : memref<128x128xf32, #tpu.memory_space<hbm>>) target_semaphore(%run_scoped3A_99 : memref<!tpu.dma_semaphore, #tpu.memory_space<semaphore_mem>>)
        %dma_wait3A_112 = arith.constant 0 : i32
        %dma_wait3A_113 = arith.constant 0 : i32
        %dma_wait3A_114 = tpu.memref_slice %arg6[%run_scoped3A_98, %dma_wait3A_112, %dma_wait3A_113] : memref<3x128x128xf32, #tpu.memory_space<vmem>> -> memref<1x128x128xf32, #tpu.memory_space<vmem>>
        %dma_wait3A_115 = tpu.memref_squeeze %dma_wait3A_114 : memref<1x128x128xf32, #tpu.memory_space<vmem>> -> memref<128x128xf32, #tpu.memory_space<vmem>>
        %dma_wait3A_116 = arith.constant 0 : i32
        %dma_wait3A_117 = tpu.memref_slice %arg4[%add3A_97, %dma_wait3A_116] : memref<98304x128xf32, #tpu.memory_space<hbm>> -> memref<128x128xf32, #tpu.memory_space<hbm>>
        %dma_wait3A_118 = arith.constant 0 : i32
        %dma_wait3A_119 = tpu.memref_slice %arg4[%add3A_97, %dma_wait3A_118] : memref<98304x128xf32, #tpu.memory_space<hbm>> -> memref<128x128xf32, #tpu.memory_space<hbm>>
        %dma_wait3A_120 = arith.constant 0 : i32
        %dma_wait3A_121 = arith.constant 0 : i32
        %dma_wait3A_122 = tpu.memref_slice %arg6[%run_scoped3A_98, %dma_wait3A_120, %dma_wait3A_121] : memref<3x128x128xf32, #tpu.memory_space<vmem>> -> memref<1x128x128xf32, #tpu.memory_space<vmem>>
        %dma_wait3A_123 = tpu.memref_squeeze %dma_wait3A_122 : memref<1x128x128xf32, #tpu.memory_space<vmem>> -> memref<128x128xf32, #tpu.memory_space<vmem>>
        tpu.wait_dma2 semaphore(%run_scoped3A_99 : memref<!tpu.dma_semaphore, #tpu.memory_space<semaphore_mem>>) src(%dma_wait3A_123 : memref<128x128xf32, #tpu.memory_space<vmem>>) dst(%dma_wait3A_119 : memref<128x128xf32, #tpu.memory_space<hbm>>)
        tpu.yield
      }) : () -> ()
    }
    %scan3A_7 = arith.constant 8 : i32
    return
  }
}

module attributes {stable_mosaic.version = 14 : i64} {
  func.func @_knn_body(%arg0: i32, %arg1: memref<3x8192xf32, #tpu.memory_space<vmem>>, %arg2: memref<1x8192xf32, #tpu.memory_space<vmem>>, %arg3: memref<512x4xf32, #tpu.memory_space<vmem>>, %arg4: memref<512x3xi32, #tpu.memory_space<vmem>>, %arg5: memref<512x3xf32, #tpu.memory_space<vmem>>) attributes {dimension_semantics = [#tpu.dimension_semantics<arbitrary>], iteration_bounds = array<i64: 64>, scalar_prefetch = 0 : i64, scratch_operands = 0 : i64, tpu.core_type = #tpu.core_type<tc>, window_params = [{pipeline_mode = #tpu.pipeline_mode<synchronous>, transform_indices = @transform_0, window_bounds = array<i64: 3, 8192>}, {pipeline_mode = #tpu.pipeline_mode<synchronous>, transform_indices = @transform_1, window_bounds = array<i64: 1, 8192>}, {transform_indices = @transform_2, window_bounds = array<i64: 512, 4>}, {transform_indices = @transform_3, window_bounds = array<i64: 512, 3>}, {transform_indices = @transform_4, window_bounds = array<i64: 512, 3>}]} {
    %get3A = arith.constant 0 : index
    %get3A_0 = arith.constant 0 : index
    %get3A_1 = vector.load %arg1[%get3A, %get3A_0] : memref<3x8192xf32, #tpu.memory_space<vmem>>, vector<1x8192xf32>
    %bitcast_convert_type3A = tpu.bitcast %get3A_1 : vector<1x8192xf32> -> vector<1x8192xi32>
    %add3A = arith.constant 32767 : i32
    %add3A_2 = vector.broadcast %add3A : i32 to vector<1x8192xi32>
    %add3A_3 = arith.addi %bitcast_convert_type3A, %add3A_2 : vector<1x8192xi32>
    %shift_right_logical3A = arith.constant 16 : i32
    %shift_right_logical3A_4 = vector.broadcast %shift_right_logical3A : i32 to vector<1x8192xi32>
    %shift_right_logical3A_5 = arith.shrui %bitcast_convert_type3A, %shift_right_logical3A_4 : vector<1x8192xi32>
    %and3A = arith.constant 1 : i32
    %and3A_6 = vector.broadcast %and3A : i32 to vector<1x8192xi32>
    %and3A_7 = arith.andi %shift_right_logical3A_5, %and3A_6 : vector<1x8192xi32>
    %add3A_8 = arith.addi %add3A_3, %and3A_7 : vector<1x8192xi32>
    %and3A_9 = arith.constant -65536 : i32
    %and3A_10 = vector.broadcast %and3A_9 : i32 to vector<1x8192xi32>
    %and3A_11 = arith.andi %add3A_8, %and3A_10 : vector<1x8192xi32>
    %bitcast_convert_type3A_12 = tpu.bitcast %and3A_11 : vector<1x8192xi32> -> vector<1x8192xf32>
    %get3A_13 = arith.constant 0 : index
    %get3A_14 = arith.constant 0 : index
    %get3A_15 = vector.load %arg3[%get3A_13, %get3A_14] : memref<512x4xf32, #tpu.memory_space<vmem>>, vector<512x1xf32>
    %bitcast_convert_type3A_16 = tpu.bitcast %get3A_15 : vector<512x1xf32> -> vector<512x1xi32>
    %add3A_17 = arith.constant 32767 : i32
    %add3A_18 = vector.broadcast %add3A_17 : i32 to vector<512x1xi32>
    %add3A_19 = arith.addi %bitcast_convert_type3A_16, %add3A_18 : vector<512x1xi32>
    %shift_right_logical3A_20 = arith.constant 16 : i32
    %shift_right_logical3A_21 = vector.broadcast %shift_right_logical3A_20 : i32 to vector<512x1xi32>
    %shift_right_logical3A_22 = arith.shrui %bitcast_convert_type3A_16, %shift_right_logical3A_21 : vector<512x1xi32>
    %and3A_23 = arith.constant 1 : i32
    %and3A_24 = vector.broadcast %and3A_23 : i32 to vector<512x1xi32>
    %and3A_25 = arith.andi %shift_right_logical3A_22, %and3A_24 : vector<512x1xi32>
    %add3A_26 = arith.addi %add3A_19, %and3A_25 : vector<512x1xi32>
    %and3A_27 = arith.constant -65536 : i32
    %and3A_28 = vector.broadcast %and3A_27 : i32 to vector<512x1xi32>
    %and3A_29 = arith.andi %add3A_26, %and3A_28 : vector<512x1xi32>
    %bitcast_convert_type3A_30 = tpu.bitcast %and3A_29 : vector<512x1xi32> -> vector<512x1xf32>
    %mul3A = arith.constant -2.000000e+00 : f32
    %mul3A_31 = vector.broadcast %mul3A : f32 to vector<512x1xf32>
    %mul3A_32 = arith.mulf %bitcast_convert_type3A_30, %mul3A_31 : vector<512x1xf32>
    %mul3A_33 = vector.broadcast %mul3A_32 : vector<512x1xf32> to vector<512x8192xf32>
    %mul3A_34 = vector.broadcast %bitcast_convert_type3A_12 : vector<1x8192xf32> to vector<512x8192xf32>
    %mul3A_35 = arith.mulf %mul3A_33, %mul3A_34 : vector<512x8192xf32>
    %get3A_36 = arith.constant 1 : index
    %get3A_37 = arith.constant 0 : index
    %get3A_38 = vector.load %arg1[%get3A_36, %get3A_37] : memref<3x8192xf32, #tpu.memory_space<vmem>>, vector<1x8192xf32>
    %bitcast_convert_type3A_39 = tpu.bitcast %get3A_38 : vector<1x8192xf32> -> vector<1x8192xi32>
    %add3A_40 = arith.constant 32767 : i32
    %add3A_41 = vector.broadcast %add3A_40 : i32 to vector<1x8192xi32>
    %add3A_42 = arith.addi %bitcast_convert_type3A_39, %add3A_41 : vector<1x8192xi32>
    %shift_right_logical3A_43 = arith.constant 16 : i32
    %shift_right_logical3A_44 = vector.broadcast %shift_right_logical3A_43 : i32 to vector<1x8192xi32>
    %shift_right_logical3A_45 = arith.shrui %bitcast_convert_type3A_39, %shift_right_logical3A_44 : vector<1x8192xi32>
    %and3A_46 = arith.constant 1 : i32
    %and3A_47 = vector.broadcast %and3A_46 : i32 to vector<1x8192xi32>
    %and3A_48 = arith.andi %shift_right_logical3A_45, %and3A_47 : vector<1x8192xi32>
    %add3A_49 = arith.addi %add3A_42, %and3A_48 : vector<1x8192xi32>
    %and3A_50 = arith.constant -65536 : i32
    %and3A_51 = vector.broadcast %and3A_50 : i32 to vector<1x8192xi32>
    %and3A_52 = arith.andi %add3A_49, %and3A_51 : vector<1x8192xi32>
    %bitcast_convert_type3A_53 = tpu.bitcast %and3A_52 : vector<1x8192xi32> -> vector<1x8192xf32>
    %get3A_54 = arith.constant 0 : index
    %get3A_55 = arith.constant 1 : index
    %get3A_56 = vector.load %arg3[%get3A_54, %get3A_55] : memref<512x4xf32, #tpu.memory_space<vmem>>, vector<512x1xf32>
    %bitcast_convert_type3A_57 = tpu.bitcast %get3A_56 : vector<512x1xf32> -> vector<512x1xi32>
    %add3A_58 = arith.constant 32767 : i32
    %add3A_59 = vector.broadcast %add3A_58 : i32 to vector<512x1xi32>
    %add3A_60 = arith.addi %bitcast_convert_type3A_57, %add3A_59 : vector<512x1xi32>
    %shift_right_logical3A_61 = arith.constant 16 : i32
    %shift_right_logical3A_62 = vector.broadcast %shift_right_logical3A_61 : i32 to vector<512x1xi32>
    %shift_right_logical3A_63 = arith.shrui %bitcast_convert_type3A_57, %shift_right_logical3A_62 : vector<512x1xi32>
    %and3A_64 = arith.constant 1 : i32
    %and3A_65 = vector.broadcast %and3A_64 : i32 to vector<512x1xi32>
    %and3A_66 = arith.andi %shift_right_logical3A_63, %and3A_65 : vector<512x1xi32>
    %add3A_67 = arith.addi %add3A_60, %and3A_66 : vector<512x1xi32>
    %and3A_68 = arith.constant -65536 : i32
    %and3A_69 = vector.broadcast %and3A_68 : i32 to vector<512x1xi32>
    %and3A_70 = arith.andi %add3A_67, %and3A_69 : vector<512x1xi32>
    %bitcast_convert_type3A_71 = tpu.bitcast %and3A_70 : vector<512x1xi32> -> vector<512x1xf32>
    %mul3A_72 = arith.constant -2.000000e+00 : f32
    %mul3A_73 = vector.broadcast %mul3A_72 : f32 to vector<512x1xf32>
    %mul3A_74 = arith.mulf %bitcast_convert_type3A_71, %mul3A_73 : vector<512x1xf32>
    %mul3A_75 = vector.broadcast %mul3A_74 : vector<512x1xf32> to vector<512x8192xf32>
    %mul3A_76 = vector.broadcast %bitcast_convert_type3A_53 : vector<1x8192xf32> to vector<512x8192xf32>
    %mul3A_77 = arith.mulf %mul3A_75, %mul3A_76 : vector<512x8192xf32>
    %add3A_78 = arith.addf %mul3A_35, %mul3A_77 : vector<512x8192xf32>
    %get3A_79 = arith.constant 2 : index
    %get3A_80 = arith.constant 0 : index
    %get3A_81 = vector.load %arg1[%get3A_79, %get3A_80] : memref<3x8192xf32, #tpu.memory_space<vmem>>, vector<1x8192xf32>
    %bitcast_convert_type3A_82 = tpu.bitcast %get3A_81 : vector<1x8192xf32> -> vector<1x8192xi32>
    %add3A_83 = arith.constant 32767 : i32
    %add3A_84 = vector.broadcast %add3A_83 : i32 to vector<1x8192xi32>
    %add3A_85 = arith.addi %bitcast_convert_type3A_82, %add3A_84 : vector<1x8192xi32>
    %shift_right_logical3A_86 = arith.constant 16 : i32
    %shift_right_logical3A_87 = vector.broadcast %shift_right_logical3A_86 : i32 to vector<1x8192xi32>
    %shift_right_logical3A_88 = arith.shrui %bitcast_convert_type3A_82, %shift_right_logical3A_87 : vector<1x8192xi32>
    %and3A_89 = arith.constant 1 : i32
    %and3A_90 = vector.broadcast %and3A_89 : i32 to vector<1x8192xi32>
    %and3A_91 = arith.andi %shift_right_logical3A_88, %and3A_90 : vector<1x8192xi32>
    %add3A_92 = arith.addi %add3A_85, %and3A_91 : vector<1x8192xi32>
    %and3A_93 = arith.constant -65536 : i32
    %and3A_94 = vector.broadcast %and3A_93 : i32 to vector<1x8192xi32>
    %and3A_95 = arith.andi %add3A_92, %and3A_94 : vector<1x8192xi32>
    %bitcast_convert_type3A_96 = tpu.bitcast %and3A_95 : vector<1x8192xi32> -> vector<1x8192xf32>
    %get3A_97 = arith.constant 0 : index
    %get3A_98 = arith.constant 2 : index
    %get3A_99 = vector.load %arg3[%get3A_97, %get3A_98] : memref<512x4xf32, #tpu.memory_space<vmem>>, vector<512x1xf32>
    %bitcast_convert_type3A_100 = tpu.bitcast %get3A_99 : vector<512x1xf32> -> vector<512x1xi32>
    %add3A_101 = arith.constant 32767 : i32
    %add3A_102 = vector.broadcast %add3A_101 : i32 to vector<512x1xi32>
    %add3A_103 = arith.addi %bitcast_convert_type3A_100, %add3A_102 : vector<512x1xi32>
    %shift_right_logical3A_104 = arith.constant 16 : i32
    %shift_right_logical3A_105 = vector.broadcast %shift_right_logical3A_104 : i32 to vector<512x1xi32>
    %shift_right_logical3A_106 = arith.shrui %bitcast_convert_type3A_100, %shift_right_logical3A_105 : vector<512x1xi32>
    %and3A_107 = arith.constant 1 : i32
    %and3A_108 = vector.broadcast %and3A_107 : i32 to vector<512x1xi32>
    %and3A_109 = arith.andi %shift_right_logical3A_106, %and3A_108 : vector<512x1xi32>
    %add3A_110 = arith.addi %add3A_103, %and3A_109 : vector<512x1xi32>
    %and3A_111 = arith.constant -65536 : i32
    %and3A_112 = vector.broadcast %and3A_111 : i32 to vector<512x1xi32>
    %and3A_113 = arith.andi %add3A_110, %and3A_112 : vector<512x1xi32>
    %bitcast_convert_type3A_114 = tpu.bitcast %and3A_113 : vector<512x1xi32> -> vector<512x1xf32>
    %mul3A_115 = arith.constant -2.000000e+00 : f32
    %mul3A_116 = vector.broadcast %mul3A_115 : f32 to vector<512x1xf32>
    %mul3A_117 = arith.mulf %bitcast_convert_type3A_114, %mul3A_116 : vector<512x1xf32>
    %mul3A_118 = vector.broadcast %mul3A_117 : vector<512x1xf32> to vector<512x8192xf32>
    %mul3A_119 = vector.broadcast %bitcast_convert_type3A_96 : vector<1x8192xf32> to vector<512x8192xf32>
    %mul3A_120 = arith.mulf %mul3A_118, %mul3A_119 : vector<512x8192xf32>
    %add3A_121 = arith.addf %add3A_78, %mul3A_120 : vector<512x8192xf32>
    %get3A_122 = arith.constant 0 : index
    %get3A_123 = arith.constant 3 : index
    %get3A_124 = vector.load %arg3[%get3A_122, %get3A_123] : memref<512x4xf32, #tpu.memory_space<vmem>>, vector<512x1xf32>
    %get3A_125 = arith.constant 0 : index
    %get3A_126 = arith.constant 0 : index
    %get3A_127 = vector.load %arg2[%get3A_125, %get3A_126] : memref<1x8192xf32, #tpu.memory_space<vmem>>, vector<1x8192xf32>
    %add3A_128 = vector.broadcast %get3A_124 : vector<512x1xf32> to vector<512x8192xf32>
    %add3A_129 = vector.broadcast %get3A_127 : vector<1x8192xf32> to vector<512x8192xf32>
    %add3A_130 = arith.addf %add3A_128, %add3A_129 : vector<512x8192xf32>
    %add3A_131 = arith.addf %add3A_130, %add3A_121 : vector<512x8192xf32>
    %iota3A = tpu.iota {dimensions = array<i32: 1>} : vector<512x8192xi32>
    %reduce_min3A = arith.constant dense<0x7F800000> : vector<512xf32>
    %reduce_min3A_132 = vector.multi_reduction <minimumf>, %add3A_131, %reduce_min3A [1] : vector<512x8192xf32> to vector<512xf32>
    %broadcast_in_dim3A = vector.shape_cast %reduce_min3A_132 : vector<512xf32> to vector<512x1xf32>
    %eq3A = vector.broadcast %broadcast_in_dim3A : vector<512x1xf32> to vector<512x8192xf32>
    %eq3A_133 = arith.cmpf oeq, %add3A_131, %eq3A : vector<512x8192xf32>
    %jit3A = arith.constant 8192 : i32
    %broadcast_in_dim3A_134 = vector.broadcast %jit3A : i32 to vector<512x8192xi32>
    %select_n3A = arith.select %eq3A_133, %iota3A, %broadcast_in_dim3A_134 : vector<512x8192xi1>, vector<512x8192xi32>
    %reduce_min3A_135 = arith.constant dense<2147483647> : vector<512xi32>
    %reduce_min3A_136 = vector.multi_reduction <minsi>, %select_n3A, %reduce_min3A_135 [1] : vector<512x8192xi32> to vector<512xi32>
    %broadcast_in_dim3A_137 = vector.shape_cast %reduce_min3A_136 : vector<512xi32> to vector<512x1xi32>
    %max3A = arith.constant 1.000000e-16 : f32
    %max3A_138 = vector.broadcast %max3A : f32 to vector<512x1xf32>
    %max3A_139 = arith.maximumf %broadcast_in_dim3A, %max3A_138 : vector<512x1xf32>
    %div3A = arith.constant 1.000000e+00 : f32
    %div3A_140 = vector.broadcast %div3A : f32 to vector<512x1xf32>
    %div3A_141 = arith.divf %div3A_140, %max3A_139 : vector<512x1xf32>
    %eq3A_142 = vector.broadcast %broadcast_in_dim3A_137 : vector<512x1xi32> to vector<512x8192xi32>
    %eq3A_143 = arith.cmpi eq, %iota3A, %eq3A_142 : vector<512x8192xi32>
    %jit3A_144 = arith.constant 0x7F800000 : f32
    %broadcast_in_dim3A_145 = vector.broadcast %jit3A_144 : f32 to vector<512x8192xf32>
    %select_n3A_146 = arith.select %eq3A_143, %broadcast_in_dim3A_145, %add3A_131 : vector<512x8192xi1>, vector<512x8192xf32>
    %reduce_min3A_147 = arith.constant dense<0x7F800000> : vector<512xf32>
    %reduce_min3A_148 = vector.multi_reduction <minimumf>, %select_n3A_146, %reduce_min3A_147 [1] : vector<512x8192xf32> to vector<512xf32>
    %broadcast_in_dim3A_149 = vector.shape_cast %reduce_min3A_148 : vector<512xf32> to vector<512x1xf32>
    %eq3A_150 = vector.broadcast %broadcast_in_dim3A_149 : vector<512x1xf32> to vector<512x8192xf32>
    %eq3A_151 = arith.cmpf oeq, %select_n3A_146, %eq3A_150 : vector<512x8192xf32>
    %jit3A_152 = arith.constant 8192 : i32
    %broadcast_in_dim3A_153 = vector.broadcast %jit3A_152 : i32 to vector<512x8192xi32>
    %select_n3A_154 = arith.select %eq3A_151, %iota3A, %broadcast_in_dim3A_153 : vector<512x8192xi1>, vector<512x8192xi32>
    %reduce_min3A_155 = arith.constant dense<2147483647> : vector<512xi32>
    %reduce_min3A_156 = vector.multi_reduction <minsi>, %select_n3A_154, %reduce_min3A_155 [1] : vector<512x8192xi32> to vector<512xi32>
    %broadcast_in_dim3A_157 = vector.shape_cast %reduce_min3A_156 : vector<512xi32> to vector<512x1xi32>
    %max3A_158 = arith.constant 1.000000e-16 : f32
    %max3A_159 = vector.broadcast %max3A_158 : f32 to vector<512x1xf32>
    %max3A_160 = arith.maximumf %broadcast_in_dim3A_149, %max3A_159 : vector<512x1xf32>
    %div3A_161 = arith.constant 1.000000e+00 : f32
    %div3A_162 = vector.broadcast %div3A_161 : f32 to vector<512x1xf32>
    %div3A_163 = arith.divf %div3A_162, %max3A_160 : vector<512x1xf32>
    %add3A_164 = arith.addf %div3A_141, %div3A_163 : vector<512x1xf32>
    %eq3A_165 = vector.broadcast %broadcast_in_dim3A_157 : vector<512x1xi32> to vector<512x8192xi32>
    %eq3A_166 = arith.cmpi eq, %iota3A, %eq3A_165 : vector<512x8192xi32>
    %jit3A_167 = arith.constant 0x7F800000 : f32
    %broadcast_in_dim3A_168 = vector.broadcast %jit3A_167 : f32 to vector<512x8192xf32>
    %select_n3A_169 = arith.select %eq3A_166, %broadcast_in_dim3A_168, %select_n3A_146 : vector<512x8192xi1>, vector<512x8192xf32>
    %reduce_min3A_170 = arith.constant dense<0x7F800000> : vector<512xf32>
    %reduce_min3A_171 = vector.multi_reduction <minimumf>, %select_n3A_169, %reduce_min3A_170 [1] : vector<512x8192xf32> to vector<512xf32>
    %broadcast_in_dim3A_172 = vector.shape_cast %reduce_min3A_171 : vector<512xf32> to vector<512x1xf32>
    %eq3A_173 = vector.broadcast %broadcast_in_dim3A_172 : vector<512x1xf32> to vector<512x8192xf32>
    %eq3A_174 = arith.cmpf oeq, %select_n3A_169, %eq3A_173 : vector<512x8192xf32>
    %jit3A_175 = arith.constant 8192 : i32
    %broadcast_in_dim3A_176 = vector.broadcast %jit3A_175 : i32 to vector<512x8192xi32>
    %select_n3A_177 = arith.select %eq3A_174, %iota3A, %broadcast_in_dim3A_176 : vector<512x8192xi1>, vector<512x8192xi32>
    %reduce_min3A_178 = arith.constant dense<2147483647> : vector<512xi32>
    %reduce_min3A_179 = vector.multi_reduction <minsi>, %select_n3A_177, %reduce_min3A_178 [1] : vector<512x8192xi32> to vector<512xi32>
    %broadcast_in_dim3A_180 = vector.shape_cast %reduce_min3A_179 : vector<512xi32> to vector<512x1xi32>
    %max3A_181 = arith.constant 1.000000e-16 : f32
    %max3A_182 = vector.broadcast %max3A_181 : f32 to vector<512x1xf32>
    %max3A_183 = arith.maximumf %broadcast_in_dim3A_172, %max3A_182 : vector<512x1xf32>
    %div3A_184 = arith.constant 1.000000e+00 : f32
    %div3A_185 = vector.broadcast %div3A_184 : f32 to vector<512x1xf32>
    %div3A_186 = arith.divf %div3A_185, %max3A_183 : vector<512x1xf32>
    %add3A_187 = arith.addf %add3A_164, %div3A_186 : vector<512x1xf32>
    %swap3A = arith.constant 0 : index
    %swap3A_188 = arith.constant 0 : index
    %swap3A_189 = vector.load %arg4[%swap3A, %swap3A_188] : memref<512x3xi32, #tpu.memory_space<vmem>>, vector<512x1xi32>
    tpu.vector_store %arg4[%swap3A, %swap3A_188], %broadcast_in_dim3A_137 {strides = array<i32>} : memref<512x3xi32, #tpu.memory_space<vmem>>, vector<512x1xi32>,
    %div3A_190 = arith.divf %div3A_141, %add3A_187 : vector<512x1xf32>
    %swap3A_191 = arith.constant 0 : index
    %swap3A_192 = arith.constant 0 : index
    %swap3A_193 = vector.load %arg5[%swap3A_191, %swap3A_192] : memref<512x3xf32, #tpu.memory_space<vmem>>, vector<512x1xf32>
    tpu.vector_store %arg5[%swap3A_191, %swap3A_192], %div3A_190 {strides = array<i32>} : memref<512x3xf32, #tpu.memory_space<vmem>>, vector<512x1xf32>,
    %swap3A_194 = arith.constant 0 : index
    %swap3A_195 = arith.constant 1 : index
    %swap3A_196 = vector.load %arg4[%swap3A_194, %swap3A_195] : memref<512x3xi32, #tpu.memory_space<vmem>>, vector<512x1xi32>
    tpu.vector_store %arg4[%swap3A_194, %swap3A_195], %broadcast_in_dim3A_157 {strides = array<i32>} : memref<512x3xi32, #tpu.memory_space<vmem>>, vector<512x1xi32>,
    %div3A_197 = arith.divf %div3A_163, %add3A_187 : vector<512x1xf32>
    %swap3A_198 = arith.constant 0 : index
    %swap3A_199 = arith.constant 1 : index
    %swap3A_200 = vector.load %arg5[%swap3A_198, %swap3A_199] : memref<512x3xf32, #tpu.memory_space<vmem>>, vector<512x1xf32>
    tpu.vector_store %arg5[%swap3A_198, %swap3A_199], %div3A_197 {strides = array<i32>} : memref<512x3xf32, #tpu.memory_space<vmem>>, vector<512x1xf32>,
    %swap3A_201 = arith.constant 0 : index
    %swap3A_202 = arith.constant 2 : index
    %swap3A_203 = vector.load %arg4[%swap3A_201, %swap3A_202] : memref<512x3xi32, #tpu.memory_space<vmem>>, vector<512x1xi32>
    tpu.vector_store %arg4[%swap3A_201, %swap3A_202], %broadcast_in_dim3A_180 {strides = array<i32>} : memref<512x3xi32, #tpu.memory_space<vmem>>, vector<512x1xi32>,
    %div3A_204 = arith.divf %div3A_186, %add3A_187 : vector<512x1xf32>
    %swap3A_205 = arith.constant 0 : index
    %swap3A_206 = arith.constant 2 : index
    %swap3A_207 = vector.load %arg5[%swap3A_205, %swap3A_206] : memref<512x3xf32, #tpu.memory_space<vmem>>, vector<512x1xf32>
    tpu.vector_store %arg5[%swap3A_205, %swap3A_206], %div3A_204 {strides = array<i32>} : memref<512x3xf32, #tpu.memory_space<vmem>>, vector<512x1xf32>,
    return
  }
  func.func @transform_0(%arg0: i32) -> (i32, i32) {
    %c0_i32 = arith.constant 0 : i32
    %c0_i32_0 = arith.constant 0 : i32
    %c0_i32_1 = arith.constant 0 : i32
    return %c0_i32, %c0_i32_0 : i32, i32
  }
  func.func @transform_1(%arg0: i32) -> (i32, i32) {
    %c0_i32 = arith.constant 0 : i32
    %c0_i32_0 = arith.constant 0 : i32
    %c0_i32_1 = arith.constant 0 : i32
    return %c0_i32, %c0_i32_0 : i32, i32
  }
  func.func @transform_2(%arg0: i32) -> (i32, i32) {
    %c0_i32 = arith.constant 0 : i32
    %c0_i32_0 = arith.constant 0 : i32
    return %arg0, %c0_i32 : i32, i32
  }
  func.func @transform_3(%arg0: i32) -> (i32, i32) {
    %c0_i32 = arith.constant 0 : i32
    %c0_i32_0 = arith.constant 0 : i32
    return %arg0, %c0_i32 : i32, i32
  }
  func.func @transform_4(%arg0: i32) -> (i32, i32) {
    %c0_i32 = arith.constant 0 : i32
    %c0_i32_0 = arith.constant 0 : i32
    return %arg0, %c0_i32 : i32, i32
  }
}

module attributes {stable_mosaic.version = 14 : i64} {
  func.func @_mlp_body(%arg0: i32, %arg1: memref<512x128xf32, #tpu.memory_space<vmem>>, %arg2: memref<512x128xf32, #tpu.memory_space<vmem>>, %arg3: memref<512x128xf32, #tpu.memory_space<vmem>>, %arg4: memref<512x3xf32, #tpu.memory_space<vmem>>, %arg5: memref<512x64xf32, #tpu.memory_space<vmem>>, %arg6: memref<128x256xf32, #tpu.memory_space<vmem>>, %arg7: memref<64x256xf32, #tpu.memory_space<vmem>>, %arg8: memref<1x256xf32, #tpu.memory_space<vmem>>, %arg9: memref<256x128xf32, #tpu.memory_space<vmem>>, %arg10: memref<1x128xf32, #tpu.memory_space<vmem>>, %arg11: memref<512x128xf32, #tpu.memory_space<vmem>>) attributes {dimension_semantics = [#tpu.dimension_semantics<arbitrary>], iteration_bounds = array<i64: 64>, scalar_prefetch = 0 : i64, scratch_operands = 0 : i64, tpu.core_type = #tpu.core_type<tc>, window_params = [{transform_indices = @transform_0, window_bounds = array<i64: 512, 128>}, {transform_indices = @transform_1, window_bounds = array<i64: 512, 128>}, {transform_indices = @transform_2, window_bounds = array<i64: 512, 128>}, {transform_indices = @transform_3, window_bounds = array<i64: 512, 3>}, {transform_indices = @transform_4, window_bounds = array<i64: 512, 64>}, {pipeline_mode = #tpu.pipeline_mode<synchronous>, transform_indices = @transform_5, window_bounds = array<i64: 128, 256>}, {pipeline_mode = #tpu.pipeline_mode<synchronous>, transform_indices = @transform_6, window_bounds = array<i64: 64, 256>}, {pipeline_mode = #tpu.pipeline_mode<synchronous>, transform_indices = @transform_7, window_bounds = array<i64: 1, 256>}, {pipeline_mode = #tpu.pipeline_mode<synchronous>, transform_indices = @transform_8, window_bounds = array<i64: 256, 128>}, {pipeline_mode = #tpu.pipeline_mode<synchronous>, transform_indices = @transform_9, window_bounds = array<i64: 1, 128>}, {transform_indices = @transform_10, window_bounds = array<i64: 512, 128>}]} {
    %get3A = arith.constant 0 : index
    %get3A_0 = arith.constant 0 : index
    %get3A_1 = vector.load %arg1[%get3A, %get3A_0] : memref<512x128xf32, #tpu.memory_space<vmem>>, vector<512x128xf32>
    %get3A_2 = arith.constant 0 : index
    %get3A_3 = arith.constant 0 : index
    %get3A_4 = vector.load %arg4[%get3A_2, %get3A_3] : memref<512x3xf32, #tpu.memory_space<vmem>>, vector<512x1xf32>
    %mul3A = vector.broadcast %get3A_4 : vector<512x1xf32> to vector<512x128xf32>
    %mul3A_5 = arith.mulf %mul3A, %get3A_1 : vector<512x128xf32>
    %get3A_6 = arith.constant 0 : index
    %get3A_7 = arith.constant 0 : index
    %get3A_8 = vector.load %arg2[%get3A_6, %get3A_7] : memref<512x128xf32, #tpu.memory_space<vmem>>, vector<512x128xf32>
    %get3A_9 = arith.constant 0 : index
    %get3A_10 = arith.constant 1 : index
    %get3A_11 = vector.load %arg4[%get3A_9, %get3A_10] : memref<512x3xf32, #tpu.memory_space<vmem>>, vector<512x1xf32>
    %mul3A_12 = vector.broadcast %get3A_11 : vector<512x1xf32> to vector<512x128xf32>
    %mul3A_13 = arith.mulf %mul3A_12, %get3A_8 : vector<512x128xf32>
    %add3A = arith.addf %mul3A_5, %mul3A_13 : vector<512x128xf32>
    %get3A_14 = arith.constant 0 : index
    %get3A_15 = arith.constant 0 : index
    %get3A_16 = vector.load %arg3[%get3A_14, %get3A_15] : memref<512x128xf32, #tpu.memory_space<vmem>>, vector<512x128xf32>
    %get3A_17 = arith.constant 0 : index
    %get3A_18 = arith.constant 2 : index
    %get3A_19 = vector.load %arg4[%get3A_17, %get3A_18] : memref<512x3xf32, #tpu.memory_space<vmem>>, vector<512x1xf32>
    %mul3A_20 = vector.broadcast %get3A_19 : vector<512x1xf32> to vector<512x128xf32>
    %mul3A_21 = arith.mulf %mul3A_20, %get3A_16 : vector<512x128xf32>
    %add3A_22 = arith.addf %add3A, %mul3A_21 : vector<512x128xf32>
    %get3A_23 = arith.constant 0 : index
    %get3A_24 = arith.constant 0 : index
    %get3A_25 = vector.load %arg6[%get3A_23, %get3A_24] : memref<128x256xf32, #tpu.memory_space<vmem>>, vector<128x256xf32>
    %dot_general3A = arith.constant dense<0.000000e+00> : vector<512x256xf32>
    %dot_general3A_26 = tpu.matmul %add3A_22, %get3A_25, %dot_general3A {dimension_numbers = #tpu.dot_dimension_numbers<[1], [0], [0], [1], [0, 0, 1, 1], [], []>, transpose_lhs_hint = false} : vector<512x128xf32>, vector<128x256xf32>, vector<512x256xf32> -> vector<512x256xf32>
    %get3A_27 = arith.constant 0 : index
    %get3A_28 = arith.constant 0 : index
    %get3A_29 = vector.load %arg5[%get3A_27, %get3A_28] : memref<512x64xf32, #tpu.memory_space<vmem>>, vector<512x64xf32>
    %get3A_30 = arith.constant 0 : index
    %get3A_31 = arith.constant 0 : index
    %get3A_32 = vector.load %arg7[%get3A_30, %get3A_31] : memref<64x256xf32, #tpu.memory_space<vmem>>, vector<64x256xf32>
    %dot_general3A_33 = arith.constant dense<0.000000e+00> : vector<512x256xf32>
    %dot_general3A_34 = tpu.matmul %get3A_29, %get3A_32, %dot_general3A_33 {dimension_numbers = #tpu.dot_dimension_numbers<[1], [0], [0], [1], [0, 0, 1, 1], [], []>, transpose_lhs_hint = false} : vector<512x64xf32>, vector<64x256xf32>, vector<512x256xf32> -> vector<512x256xf32>
    %add3A_35 = arith.addf %dot_general3A_26, %dot_general3A_34 : vector<512x256xf32>
    %get3A_36 = arith.constant 0 : index
    %get3A_37 = arith.constant 0 : index
    %get3A_38 = vector.load %arg8[%get3A_36, %get3A_37] : memref<1x256xf32, #tpu.memory_space<vmem>>, vector<1x256xf32>
    %add3A_39 = vector.broadcast %get3A_38 : vector<1x256xf32> to vector<512x256xf32>
    %add3A_40 = arith.addf %add3A_35, %add3A_39 : vector<512x256xf32>
    %max3A = arith.constant 0.000000e+00 : f32
    %max3A_41 = vector.broadcast %max3A : f32 to vector<512x256xf32>
    %max3A_42 = arith.maximumf %add3A_40, %max3A_41 : vector<512x256xf32>
    %get3A_43 = arith.constant 0 : index
    %get3A_44 = arith.constant 0 : index
    %get3A_45 = vector.load %arg9[%get3A_43, %get3A_44] : memref<256x128xf32, #tpu.memory_space<vmem>>, vector<256x128xf32>
    %dot_general3A_46 = arith.constant dense<0.000000e+00> : vector<512x128xf32>
    %dot_general3A_47 = tpu.matmul %max3A_42, %get3A_45, %dot_general3A_46 {dimension_numbers = #tpu.dot_dimension_numbers<[1], [0], [0], [1], [0, 0, 1, 1], [], []>, transpose_lhs_hint = false} : vector<512x256xf32>, vector<256x128xf32>, vector<512x128xf32> -> vector<512x128xf32>
    %get3A_48 = arith.constant 0 : index
    %get3A_49 = arith.constant 0 : index
    %get3A_50 = vector.load %arg10[%get3A_48, %get3A_49] : memref<1x128xf32, #tpu.memory_space<vmem>>, vector<1x128xf32>
    %add3A_51 = vector.broadcast %get3A_50 : vector<1x128xf32> to vector<512x128xf32>
    %add3A_52 = arith.addf %dot_general3A_47, %add3A_51 : vector<512x128xf32>
    %swap3A = arith.constant 0 : index
    %swap3A_53 = arith.constant 0 : index
    %swap3A_54 = vector.load %arg11[%swap3A, %swap3A_53] : memref<512x128xf32, #tpu.memory_space<vmem>>, vector<512x128xf32>
    tpu.vector_store %arg11[%swap3A, %swap3A_53], %add3A_52 {strides = array<i32>} : memref<512x128xf32, #tpu.memory_space<vmem>>, vector<512x128xf32>,
    return
  }
  func.func @transform_0(%arg0: i32) -> (i32, i32) {
    %c0_i32 = arith.constant 0 : i32
    %c0_i32_0 = arith.constant 0 : i32
    return %arg0, %c0_i32 : i32, i32
  }
  func.func @transform_1(%arg0: i32) -> (i32, i32) {
    %add3A = arith.constant 64 : i32
    %add3A_0 = arith.addi %arg0, %add3A : i32
    %c0_i32 = arith.constant 0 : i32
    %c0_i32_1 = arith.constant 0 : i32
    return %add3A_0, %c0_i32 : i32, i32
  }
  func.func @transform_2(%arg0: i32) -> (i32, i32) {
    %add3A = arith.constant 128 : i32
    %add3A_0 = arith.addi %arg0, %add3A : i32
    %c0_i32 = arith.constant 0 : i32
    %c0_i32_1 = arith.constant 0 : i32
    return %add3A_0, %c0_i32 : i32, i32
  }
  func.func @transform_3(%arg0: i32) -> (i32, i32) {
    %c0_i32 = arith.constant 0 : i32
    %c0_i32_0 = arith.constant 0 : i32
    return %arg0, %c0_i32 : i32, i32
  }
  func.func @transform_4(%arg0: i32) -> (i32, i32) {
    %c0_i32 = arith.constant 0 : i32
    %c0_i32_0 = arith.constant 0 : i32
    return %arg0, %c0_i32 : i32, i32
  }
  func.func @transform_5(%arg0: i32) -> (i32, i32) {
    %c0_i32 = arith.constant 0 : i32
    %c0_i32_0 = arith.constant 0 : i32
    %c0_i32_1 = arith.constant 0 : i32
    return %c0_i32, %c0_i32_0 : i32, i32
  }
  func.func @transform_6(%arg0: i32) -> (i32, i32) {
    %c0_i32 = arith.constant 0 : i32
    %c0_i32_0 = arith.constant 0 : i32
    %c0_i32_1 = arith.constant 0 : i32
    return %c0_i32, %c0_i32_0 : i32, i32
  }
  func.func @transform_7(%arg0: i32) -> (i32, i32) {
    %c0_i32 = arith.constant 0 : i32
    %c0_i32_0 = arith.constant 0 : i32
    %c0_i32_1 = arith.constant 0 : i32
    return %c0_i32, %c0_i32_0 : i32, i32
  }
  func.func @transform_8(%arg0: i32) -> (i32, i32) {
    %c0_i32 = arith.constant 0 : i32
    %c0_i32_0 = arith.constant 0 : i32
    %c0_i32_1 = arith.constant 0 : i32
    return %c0_i32, %c0_i32_0 : i32, i32
  }
  func.func @transform_9(%arg0: i32) -> (i32, i32) {
    %c0_i32 = arith.constant 0 : i32
    %c0_i32_0 = arith.constant 0 : i32
    %c0_i32_1 = arith.constant 0 : i32
    return %c0_i32, %c0_i32_0 : i32, i32
  }
  func.func @transform_10(%arg0: i32) -> (i32, i32) {
    %c0_i32 = arith.constant 0 : i32
    %c0_i32_0 = arith.constant 0 : i32
    return %arg0, %c0_i32 : i32, i32
  }
}

</mosaic_0001>

<sc_bundles>
// kernel: kernel.5.cloned.1.call-start
scs
__scs_entry_jumppad:
0x0: {  	(pc) =	sbr.rel $0x88, $3  }
0x1: {  	(tag) =	ssettag $0x0;
	lr =	simm.s32 $0x1  }
0x2: {  	[smem:$0x3F98] =	sst lr;
	_ =	strace $0xD0000000  }
0x3: {  	_ = 	snop  }
0x4: {  	_ = 	snop  }
0x5: {  	_ = 	snop  }
0x6: {  	_ = 	snop  }
0x7: {  	_ = 	snop  }
__scs_overlays_trampoline_lowered:
0x8: {  	[smem:$0x3FA7] =	sst s0  }
0x9: {  	[smem:$0x3FA8] =	sst s1  }
0xa: {  	[smem:$0x3FA9] =	sst s2  }
0xb: {  	[smem:$0x3FAA] =	sst s3  }
0xc: {  	[smem:$0x3FAB] =	sst s4  }
0xd: {  	[smem:$0x3FAC] =	sst s5  }
0xe: {  	[smem:$0x3FAD] =	sst s6  }
0xf: {  	[smem:$0x3FAE] =	sst s7  }
0x10: {  	[smem:$0x3FAF] =	sst s8  }
0x11: {  	[smem:$0x3FB0] =	sst s9;
	s0 =	simm.s32 @!p0 $0x0  }
0x12: {  	s1 =	sld [smem:$0x3F96];
	s0 =	simm.s32 @p0 $0x1  }
0x13: {  	[smem:$0x3FB1] =	sst s0;
	s0 =	simm.s32 @!p1 $0x0  }
0x14: {  	s2 =	sld [smem:$0x3F95];
	s0 =	simm.s32 @p1 $0x1  }
0x15: {  	[smem:$0x3FB2] =	sst s0;
	s0 =	simm.s32 @!p2 $0x0  }
0x16: {  	s3 =	sld [smem:$0x3FDB];
	s0 =	simm.s32 @p2 $0x1  }
0x17: {  	s4 =	simm.s32 $0x1BF5;
	[smem:$0x3FB4] =	sst s0  }
0x18: {  	s0 =	sld [smem:$0x3F97];
	_ =	swait.ge [sflag:s4], $0x0  }
0x19: {  	s7 =	sld [smem:$0x3F98]  }
0x1a: {  	s8 =	sadd.s32 $0xFFFFE003, lr  }
0x1b: {  	s9 =	sadd.s32 $0xFFFFFEF7, lr;
	s5 =	simm.s32 $0xFFFFFFFF;
	p2 =	slt.u32 s8, $0xFFFFF086  }
0x1c: {  	p1 =	slt.u32 s9, $0xF7A;
	s5 =	simm.s32 @!p2 $0x0  }
0x1d: {  	s5 =	simm.s32 @p1 $0x1;
	p0 =	seq.s32 s7, s2  }
0x1e: {  	s7 =	smul.u32 @!p0 $0xF7A, s2;
	p2 =	seq.s32 @!p0 s5, $0x0  }
0x1f: {  	s9 =	smul.u32 $0xF7A, s1;
	s8 =	simm.s32 @!p0 $0x1BF5;
	p2 =	por !p2, p0  }
0x20: {  	[sflag:s8] =	ssyncset.s32 @!p0 $0xFFFFF086;
	s6 =	sadd.s32 @!p0 s3, s7;
	s7 =	simm.s32 @!p0 $0x108  }
0x21: {  	s3 =	sadd.s32 s3, s9;
	s6 =	sadd.s32 @!p0 $0x88, s6;
	s7 =	simm.s32 @p2 $0x1082  }
0x22: {  	[simem:s7], [sflag:s8] =	dma.local @!p0 [hbm:s6], $0xF7A  }
0x23: {  	s9 =	sor.u32 $0xD0000000, s2;
	s6 =	simm.s32 $0x108;
	_ =	swait.ge @!p0 [sflag:s8], $0x0  }
0x24: {  	s3 =	sadd.s32 $0x88, s3;
	s6 =	simm.s32 @!p1 $0x1082;
	[sflag:s4] =	ssyncset.s32 $0xFFFFF086  }
0x25: {  	[simem:s6], [sflag:s4] =	dma.local [hbm:s3], $0xF7A  }
0x26: {  	[smem:$0x3F98] =	sst s1;
	(tag) =	ssettag s2;
	_ =	strace s9  }
0x27: {  	s1 =	sld [smem:$0x3FA8]  }
0x28: {  	s2 =	sld [smem:$0x3FA9]  }
0x29: {  	s4 =	sld [smem:$0x3FAB]  }
0x2a: {  	p0 =	seq.s32 s5, $0x0;
	s5 =	sld [smem:$0x3FAC]  }
0x2b: {  	s6 =	sld [smem:$0x3FAD]  }
0x2c: {  	s7 =	sld [smem:$0x3FAE]  }
0x2d: {  	s3 =	simm.s32 $0x108;
	s8 =	sld [smem:$0x3FAF]  }
0x2e: {  	s3 =	simm.s32 @!p0 $0x1082;
	s9 =	sld [smem:$0x3FB0]  }
0x2f: {  	lr =	sadd.s32 s0, s3;
	s0 =	sld [smem:$0x3FA7]  }
0x30: {  	s3 =	sld [smem:$0x3FAA]  }
0x31: {  	[smem:$0x3FB3] =	sst s10  }
0x32: {  	s10 =	sld [smem:$0x3FB1];
	_ =	sdelay $0x3  }
0x33: {  	p0 =	seq.s32 s10, $0x1;
	s10 =	sld [smem:$0x3FB3];
	_ =	sdelay $0x3  }
0x34: {  	[smem:$0x3FB3] =	sst s10  }
0x35: {  	s10 =	sld [smem:$0x3FB2];
	_ =	sdelay $0x3  }
0x36: {  	p1 =	seq.s32 s10, $0x1;
	s10 =	sld [smem:$0x3FB3];
	_ =	sdelay $0x3  }
0x37: {  	[smem:$0x3FB3] =	sst s10  }
0x38: {  	s10 =	sld [smem:$0x3FB4]  }
0x39: {  	_ = 	snop;
	(pc) =	sbr.ind lr, $3  }
0x3a: {  	_ = 	snop  }
0x3b: {  	_ = 	snop  }
0x3c: {  	p2 =	seq.s32 s10, $0x1;
	s10 =	sld [smem:$0x3FB3]  }
0x3d: {  	_ =	shalt  }
0x3e: {  	_ =	shalt  }
0x3f: {  	_ =	shalt  }
0x40: {  	_ =	shalt  }
0x41: {  	_ =	shalt  }
0x42: {  	_ =	shalt  }
0x43: {  	_ =	shalt  }
0x44: {  	_ =	shalt  }
0x45: {  	_ =	shalt  }
0x46: {  	_ =	shalt  }
0x47: {  	_ =	shalt  }
0x48: {  	_ =	shalt  }
0x49: {  	_ =	shalt  }
0x4a: {  	_ =	shalt  }
0x4b: {  	_ =	shalt  }
0x4c: {  	_ =	shalt  }
0x4d: {  	_ =	shalt  }
0x4e: {  	_ =	shalt  }
0x4f: {  	_ =	shalt  }
0x50: {  	_ =	shalt  }
0x51: {  	_ =	shalt  }
0x52: {  	_ =	shalt  }
0x53: {  	_ =	shalt  }
0x54: {  	_ =	shalt  }
0x55: {  	_ =	shalt  }
0x56: {  	_ =	shalt  }
0x57: {  	_ =	shalt  }
0x58: {  	_ =	shalt  }
0x59: {  	_ =	shalt  }
0x5a: {  	_ =	shalt  }
0x5b: {  	_ =	shalt  }
0x5c: {  	_ =	shalt  }
0x5d: {  	_ =	shalt  }
0x5e: {  	_ =	shalt  }
0x5f: {  	_ =	shalt  }
0x60: {  	_ =	shalt  }
0x61: {  	_ =	shalt  }
0x62: {  	_ =	shalt  }
0x63: {  	_ =	shalt  }
0x64: {  	_ =	shalt  }
0x65: {  	_ =	shalt  }
0x66: {  	_ =	shalt  }
0x67: {  	_ =	shalt  }
0x68: {  	_ =	shalt  }
0x69: {  	_ =	shalt  }
0x6a: {  	_ =	shalt  }
0x6b: {  	_ =	shalt  }
0x6c: {  	_ =	shalt  }
0x6d: {  	_ =	shalt  }
0x6e: {  	_ =	shalt  }
0x6f: {  	_ =	shalt  }
0x70: {  	_ =	shalt  }
0x71: {  	_ =	shalt  }
0x72: {  	_ =	shalt  }
0x73: {  	_ =	shalt  }
0x74: {  	_ =	shalt  }
0x75: {  	_ =	shalt  }
0x76: {  	_ =	shalt  }
0x77: {  	_ =	shalt  }
0x78: {  	_ =	shalt  }
0x79: {  	_ =	shalt  }
0x7a: {  	_ =	shalt  }
0x7b: {  	_ =	shalt  }
0x7c: {  	_ =	shalt  }
0x7d: {  	_ =	shalt  }
0x7e: {  	_ =	shalt  }
0x7f: {  	_ =	shalt  }
0x80: {  	_ =	shalt  }
0x81: {  	_ =	shalt  }
0x82: {  	_ =	shalt  }
0x83: {  	_ =	shalt  }
0x84: {  	_ =	shalt  }
0x85: {  	_ =	shalt  }
0x86: {  	_ =	shalt  }
0x87: {  	_ =	shalt  }
.Lfunc_end0:
.L_simem_size_0:
called_computation_lowered:
.L_overlay_start_0:
0x88: {  	s2 =	sld [smem:$0x3FD9]  }
0x89: {  	s3 =	sld [smem:$0x3FFE];
	_ =	sdelay $0x1  }
0x8a: {  	s1 =	srdreg.scid  }
0x8b: {  	s0 =	sand.u32 $0x1, s1  }
0x8c: {  	s14 =	sshll.u32 s0, $0xA;
	s2 =	sadd.s32 s3, s2  }
0x8d: {  	s2 =	sadd.s32 s2, s14  }
0x8e: {  	[smem:$0x3FBF] =	sst s2  }
0x8f: {  	_ = 	snop  }
0x90: {  	s2 =	sld [smem:$0x3FD0];
	_ =	sdelay $0x2  }
0x91: {  	s4 =	simm.s32 $0xA;
	s5 =	simm.s32 $0x10;
	s15 =	sld [smem:$0x3FC9]  }
0x92: {  	[smem:s5], [sflag:s4] =	dma.local [hbm:s2], $0x1  }
0x93: {  	_ =	swait.eq [sflag:s4], $0x1  }
0x94: {  	[sflag:s4] =	ssyncset.done $0x0  }
0x95: {  	[sflag:s4] =	ssyncadd.s32 $0xFFFFFFFF  }
0x96: {  	s16 =	sld [smem:$0x11];
	(tm) =	ssettm $0x1  }
0x97: {  	s17 =	sld [smem:$0x3FFB];
	_ =	sdelay $0x3  }
0x98: {  	_ =	strace s17  }
0x99: {  	s4 =	sld [smem:$0x3FFC];
	_ =	sdelay $0x3  }
0x9a: {  	_ =	strace s4  }
0x9b: {  	s4 =	sld [smem:$0x3FFD];
	_ =	sdelay $0x3  }
0x9c: {  	_ =	strace s4  }
0x9d: {  	_ =	strace $0x8FFFFFFF  }
0x9e: {  	s18 =	sld [smem:$0x3FDB];
	_ =	sdelay $0x1  }
0x9f: {  	s19 =	simm.s32 $_scs_section_size  }
0xa0: {  	s6 =	simm.s32 $_size__tile_overlayer_lowered;
	s7 =	simm.s32 $_tile_overlayer_lowered  }
0xa1: {  	s22 =	simm.s32 $0x1BFF;
	s21 =	sshll.u32 s7, $0x1;
	s4 =	sadd.s32 s19, s18  }
0xa2: {  	s8 =	simm.s32 $0x0;
	s20 =	sshll.u32 s6, $0x1;
	s6 =	sadd.s32 s21, s4  }
0xa3: {  	[timem:s8], [sflag:s22] =	dma.local [hbm:s6], s20  }
0xa4: {  	_ =	swait.ge [sflag:s22], s20  }
0xa5: {  	s5 =	ssub.s32 $0x0, s20;
	[sflag:s22] =	ssyncset.done $0x0  }
0xa6: {  	[sflag:s22] =	ssyncadd.s32 s5;
	_ =	sdelay $0x1  }
0xa7: {  	s23 =	simm.s32 $0x1B8B  }
0xa8: {  	_ =	swait.ge [sflag:s23], $0x1  }
0xa9: {  	[sflag:s23] =	ssyncset.done $0x0  }
0xaa: {  	s25 =	simm.s32 $0x1B8E;
	s24 =	sld [smem:$0x3FFE];
	[sflag:s23] =	ssyncadd.s32 $0xFFFFFFFF  }
0xab: {  	s26 =	simm.s32 $execute0_lowered;
	[smem:$0x3FD2] =	sst s25  }
0xac: {  	s6 =	sshll.u32 s26, $0x1;
	_ =	strace $0x80000046;
	[dreg:$0x1] =	wrdreg $0xFFFFFFFF  }
0xad: {  	s28 =	simm.s32 $_size_execute0_lowered;
	s4 =	sadd.s32 s4, s6;
	[dreg:$0x0] =	wrdreg $0x0  }
0xae: {  	s6 =	sshll.u32 s28, $0x1;
	[dreg:$0x2] =	wrdreg s4  }
0xaf: {  	[dreg:$0x3] =	wrdreg s6  }
0xb0: {  	[dreg:$0x4] =	wrdreg $0xC0  }
0xb1: {  	_ =	task [dreg:s8], $0x5FFFF  }
0xb2: {  	[dreg:$0x1] =	wrdreg $0xFFFFFFFF  }
0xb3: {  	[dreg:$0x0] =	wrdreg $0x60  }
0xb4: {  	[dreg:$0x2] =	wrdreg s15  }
0xb5: {  	[dreg:$0x3] =	wrdreg s16  }
0xb6: {  	[dreg:$0x4] =	wrdreg s24  }
0xb7: {  	[dreg:$0x5] =	wrdreg $0x9  }
0xb8: {  	_ =	task.clear_ibuf [dreg:s8], $0x6FFFF;
	_ =	strace $0x90000046  }
0xb9: {  	s29 =	simm.s32 $0x9;
	_ =	strace $0x80000048  }
0xba: {  	_ =	swait.ge [sflag:s29], $0x1  }
0xbb: {  	[sflag:s29] =	ssyncadd.s32 $0xFFFFFFFF  }
0xbc: {  	_ =	strace $0x90000048  }
0xbd: {  	_ =	sfence  }
0xbe: {  	s30 =	sld [smem:$0x0];
	_ =	sdelay $0x2  }
0xbf: {  	s31 =	sshll.u32 s1, $0xD;
	s1 =	sshrl.u32 s1, $0x2  }
0xc0: {  	s3 =	sand.u32 $0x4000, s31;
	s1 =	sadd.s32 s1, s30  }
0xc1: {  	s0 =	sor.u32 s3, s0;
	s1 =	sshll.u32 s1, $0x11  }
0xc2: {  	s0 =	sor.u32 s1, s0  }
0xc3: {  	s0 =	sadd.s32 $0x8F2B, s0  }
0xc4: {  	[sflag:s0] =	ssyncadd.remote.s32 $0x1  }
0xc5: {  	_ =	sfence.sel $0xFFFF  }
0xc6: {  	[dreg:$0x0] =	wrdreg $0xFFFFFFFF;
	(pc) =	sbr.abs _section_cstart, $3  }
0xc7: {  	[dreg:$0x1] =	wrdreg $0xFFFFFFFF  }
0xc8: {  	_ =	task.clear_ibuf [dreg:s8], $0x2FFFF;
	_ =	strace $0x9FFFFFFF  }
0xc9: {  	(tm) =	ssettm $0x7FFFFFFF  }
tec
execute0_lowered:
.L_overlay_start_1:
0x0: {  	(tag) =	ssettag $0x1  }
0x1: {  	s1 =	rddreg [dreg:$0x0]  }
0x2: {  	s8 =	rddreg [dreg:$0x1]  }
0x3: {  	s4 =	rddreg [dreg:$0x2];
	s2 =	srdreg.scid  }
0x4: {  	s0 =	rddreg [dreg:$0x3];
	s3 =	simm.s32 $0x0;
	s11 =	simm.s32 $0x100  }
0x5: {  	s12 =	simm.s32 $0x200;
	s13 =	simm.s32 $0x4200;
	s14 =	simm.s32 $0x8200  }
0x6: {  	s15 =	simm.s32 $0x1;
	s16 =	simm.s32 $0x2;
	s17 =	simm.s32 $0x3  }
0x7: {  	s18 =	simm.s32 $0x0;
	s5 =	sand.u32 $0x1, s2;
	[smem:$0x7FF] =	sst s3  }
0x8: {  	s2 =	stileid.u32;
	s6 =	ssub.s32 $0x2, s5;
	_ =	strace $0x80000047  }
0x9: {  	s7 =	sshll.u32 s2, $0xF;
	s24 =	sshll.u32 s5, $0xE;
	s25 =	sshll.u32 s2, $0xB  }
0xa: {  	s10 =	sshll.u32 s5, $0xA;
	s9 =	sshrl.u32 s6, $0x1;
	s4 =	sadd.s32 s7, s4  }
0xb: {  	s28 =	sor.u32 s10, s25;
	s6 =	ssub.s32 s6, s9;
	s26 =	sadd.s32 s24, s4  }
0xc: {  	s29 =	sshrl.u32 s28, $0x3;
	s9 =	sor.u32 $0x8000, s28;
	s10 =	sor.u32 $0x10000, s28  }
0xd: {  	s4 =	smax.u32 s6, $0x1;
	s5 =	sadd.s32 $0x82200, s26;
	s6 =	sadd.s32 s29, s8  }
0xe: {  	s30 =	sshrl.u32 s9, $0x3;
	s31 =	sshrl.u32 s10, $0x3;
	s9 =	simm.s32 $0x4  }
0xf: {  	s10 =	simm.s32 $0x80;
	s7 =	sadd.s32 s30, s8;
	s8 =	sadd.s32 s31, s8  }
.LBB2_1:
0x10: {  	[tilespmem:s3], [sflag:$0x4] =	stream.linear.gather [hbm4b:s6+s3], $0x80, $0x38;
	[tilespmem:$0xC200] =	vst v63  }
0x11: {  	_ =	swait.ge [sflag:s9], $0x80  }
0x12: {  	[sflag:s9] =	ssyncset.done $0x0  }
0x13: {  	[sflag:s9] =	ssyncadd.s32 $0xFFFFFF80  }
0x14: {  	[tilespmem:s10], [sflag:$0x4] =	stream.linear.gather [hbm4b:s7+s3], $0x80, $0x38;
	[tilespmem:$0xC200] =	vst v63  }
0x15: {  	_ =	swait.ge [sflag:s9], $0x80  }
0x16: {  	[sflag:s9] =	ssyncset.done $0x0  }
0x17: {  	[sflag:s9] =	ssyncadd.s32 $0xFFFFFF80  }
0x18: {  	[tilespmem:s11], [sflag:$0x4] =	stream.linear.gather [hbm4b:s8+s3], $0x80, $0x38;
	[tilespmem:$0xC200] =	vst v63  }
0x19: {  	_ =	swait.ge [sflag:s9], $0x80  }
0x1a: {  	[sflag:s9] =	ssyncset.done $0x0  }
0x1b: {  	[sflag:s9] =	ssyncadd.s32 $0xFFFFFF80  }
0x1c: {  	[tilespmem:s12], [sflag:$0x1] =	stream.indirect.gather [hbm4b:s1+s10], $0x80, s3, s10, $0xb8;
	[tilespmem:$0xC200] =	vst v63  }
0x1d: {  	_ = 	snop  }
0x1e: {  	[tilespmem:s13], [sflag:$0x2] =	stream.indirect.gather [hbm4b:s1+s10], $0x80, s10, s10, $0xb8;
	[tilespmem:$0xC200] =	vst v63  }
0x1f: {  	_ = 	snop  }
0x20: {  	[tilespmem:s14], [sflag:$0x3] =	stream.indirect.gather [hbm4b:s1+s10], $0x80, s11, s10, $0xb8;
	[tilespmem:$0xC200] =	vst v63  }
0x21: {  	_ =	swait.ge [sflag:s15], $0x4000  }
0x22: {  	[sflag:s15] =	ssyncset.done $0x0  }
0x23: {  	s19 =	sadd.s32 $0x0, s5;
	[sflag:s15] =	ssyncadd.s32 $0xFFFFC000  }
0x24: {  	[hbm4b:s19+s3] =	stream.linear.scatter [tilespmem:s12], [sflag:$0x4], $0x4000, $0x38;
	[tilespmem:$0xC200] =	vst v63  }
0x25: {  	_ =	swait.ge [sflag:s9], $0x4000  }
0x26: {  	[sflag:s9] =	ssyncset.done $0x0  }
0x27: {  	[sflag:s9] =	ssyncadd.s32 $0xFFFFC000  }
0x28: {  	_ =	swait.ge [sflag:s16], $0x4000  }
0x29: {  	[sflag:s16] =	ssyncset.done $0x0  }
0x2a: {  	s20 =	sadd.s32 $0x80000, s19;
	[sflag:s16] =	ssyncadd.s32 $0xFFFFC000  }
0x2b: {  	[hbm4b:s20+s3] =	stream.linear.scatter [tilespmem:s13], [sflag:$0x4], $0x4000, $0x38;
	[tilespmem:$0xC200] =	vst v63  }
0x2c: {  	_ =	swait.ge [sflag:s9], $0x4000  }
0x2d: {  	[sflag:s9] =	ssyncset.done $0x0  }
0x2e: {  	[sflag:s9] =	ssyncadd.s32 $0xFFFFC000  }
0x2f: {  	_ =	swait.ge [sflag:s17], $0x4000  }
0x30: {  	[sflag:s17] =	ssyncset.done $0x0  }
0x31: {  	s19 =	sadd.s32 $0x100000, s19;
	[sflag:s17] =	ssyncadd.s32 $0xFFFFC000  }
0x32: {  	[hbm4b:s19+s3] =	stream.linear.scatter [tilespmem:s14], [sflag:$0x4], $0x4000, $0x38;
	[tilespmem:$0xC200] =	vst v63  }
0x33: {  	s21 =	smov.u32 s6;
	s22 =	smov.u32 s7;
	_ =	swait.ge [sflag:s9], $0x4000  }
0x34: {  	s20 =	sadd.s32 $0x10, s8;
	s19 =	simm.s32 $0x800;
	[sflag:s9] =	ssyncset.done $0x0  }
.LBB2_2:
0x35: {  	[sflag:s9] =	ssyncadd.s32 $0xFFFFC000  }
0x36: {  	s21 =	sadd.s32 $0x10, s21;
	s22 =	sadd.s32 $0x10, s22;
	s23 =	smov.u32 s19  }
0x37: {  	[tilespmem:s3], [sflag:$0x4] =	stream.linear.gather [hbm4b:s21+s3], $0x80, $0x38;
	[tilespmem:$0xC200] =	vst v63  }
0x38: {  	p0 =	sne.s32 s19, $0x3800;
	s19 =	sadd.s32 $0x800, s19;
	_ =	swait.ge [sflag:s9], $0x80  }
0x39: {  	[sflag:s9] =	ssyncset.done $0x0  }
0x3a: {  	[sflag:s9] =	ssyncadd.s32 $0xFFFFFF80  }
0x3b: {  	[tilespmem:s10], [sflag:$0x4] =	stream.linear.gather [hbm4b:s22+s3], $0x80, $0x38;
	[tilespmem:$0xC200] =	vst v63  }
0x3c: {  	_ =	swait.ge [sflag:s9], $0x80  }
0x3d: {  	[sflag:s9] =	ssyncset.done $0x0  }
0x3e: {  	[sflag:s9] =	ssyncadd.s32 $0xFFFFFF80  }
0x3f: {  	[tilespmem:s11], [sflag:$0x4] =	stream.linear.gather [hbm4b:s20+s3], $0x80, $0x38;
	[tilespmem:$0xC200] =	vst v63  }
0x40: {  	_ =	swait.ge [sflag:s9], $0x80  }
0x41: {  	[sflag:s9] =	ssyncset.done $0x0  }
0x42: {  	[sflag:s9] =	ssyncadd.s32 $0xFFFFFF80  }
0x43: {  	[tilespmem:s12], [sflag:$0x1] =	stream.indirect.gather [hbm4b:s1+s10], $0x80, s3, s10, $0xb8;
	[tilespmem:$0xC200] =	vst v63  }
0x44: {  	_ = 	snop  }
0x45: {  	[tilespmem:s13], [sflag:$0x2] =	stream.indirect.gather [hbm4b:s1+s10], $0x80, s10, s10, $0xb8;
	[tilespmem:$0xC200] =	vst v63  }
0x46: {  	_ = 	snop  }
0x47: {  	[tilespmem:s14], [sflag:$0x3] =	stream.indirect.gather [hbm4b:s1+s10], $0x80, s11, s10, $0xb8;
	[tilespmem:$0xC200] =	vst v63  }
0x48: {  	_ =	swait.ge [sflag:s15], $0x4000  }
0x49: {  	[sflag:s15] =	ssyncset.done $0x0  }
0x4a: {  	s23 =	sadd.s32 s23, s5;
	[sflag:s15] =	ssyncadd.s32 $0xFFFFC000  }
0x4b: {  	[hbm4b:s23+s3] =	stream.linear.scatter [tilespmem:s12], [sflag:$0x4], $0x4000, $0x38;
	[tilespmem:$0xC200] =	vst v63  }
0x4c: {  	_ =	swait.ge [sflag:s9], $0x4000  }
0x4d: {  	[sflag:s9] =	ssyncset.done $0x0  }
0x4e: {  	[sflag:s9] =	ssyncadd.s32 $0xFFFFC000  }
0x4f: {  	_ =	swait.ge [sflag:s16], $0x4000  }
0x50: {  	[sflag:s16] =	ssyncset.done $0x0  }
0x51: {  	s24 =	sadd.s32 $0x80000, s23;
	[sflag:s16] =	ssyncadd.s32 $0xFFFFC000  }
0x52: {  	[hbm4b:s24+s3] =	stream.linear.scatter [tilespmem:s13], [sflag:$0x4], $0x4000, $0x38;
	[tilespmem:$0xC200] =	vst v63  }
0x53: {  	_ =	swait.ge [sflag:s9], $0x4000  }
0x54: {  	[sflag:s9] =	ssyncset.done $0x0  }
0x55: {  	[sflag:s9] =	ssyncadd.s32 $0xFFFFC000  }
0x56: {  	_ =	swait.ge [sflag:s17], $0x4000  }
.Ltmp0:
0x57: {  	[sflag:s17] =	ssyncset.done $0x0;
	(pc) =	sbr.rel @p0 .LBB2_2-.Ltmp0, $4  }
0x58: {  	s23 =	sadd.s32 $0x100000, s23;
	[sflag:s17] =	ssyncadd.s32 $0xFFFFC000  }
0x59: {  	[hbm4b:s23+s3] =	stream.linear.scatter [tilespmem:s14], [sflag:$0x4], $0x4000, $0x38;
	[tilespmem:$0xC200] =	vst v63  }
0x5a: {  	_ =	swait.ge [sflag:s9], $0x4000  }
0x5b: {  	s20 =	sadd.s32 $0x10, s20;
	[sflag:s9] =	ssyncset.done $0x0  }
0x5c: {  	s18 =	sadd.s32 $0x1, s18  }
0x5d: {  	p0 =	sne.s32 s18, s4  }
.Ltmp1:
0x5e: {  	_ = 	snop;
	(pc) =	sbr.rel @p0 .LBB2_1-.Ltmp1, $2  }
0x5f: {  	_ =	sdelay $0x2  }
0x60: {  	[sflag:s9] =	ssyncadd.s32 $0xFFFFC000  }
0x61: {  	_ =	sfence.sel $0x180000  }
0x62: {  	[bflag:$0x0] =	sbarrier.arrive $0xFFFF  }
0x63: {  	p0 =	sne.s32 s2, $0x0;
	_ =	strace $0x90000047  }
0x64: {  	s0 =	sadd.s32 @!p0 $0x100000, s0;
	[bflag:$0x2] =	sbarrier.arrive $0xFFFF  }
0x65: {  	[sflag:s0] =	ssyncadd.tile.s32 @!p0 $0x1;
	_ =	shalt  }
.Lfunc_end2:
_tile_overlayer_lowered:
.L_overlay_start_2:
0x66: {  	(tag) =	ssettag $0x2  }
0x67: {  	s0 =	rddreg [dreg:$0x0];
	s2 =	stileid.u32  }
0x68: {  	s1 =	rddreg [dreg:$0x1];
	p0 =	sne.s32 s2, $0x0  }
0x69: {  	s3 =	rddreg [dreg:$0x2];
	[bflag:$0x3] =	sbarrier.arrive $0xFFFF;
	s2 =	simm.s32 @!p0 $0x1C04  }
0x6a: {  	[timem:s3], [sflag:s2] =	dma.local @!p0 [hbm:s0], s1  }
0x6b: {  	s0 =	simm.s32 @!p0 $0x4  }
0x6c: {  	_ =	swait.ge @!p0 [sflag:s0], s1  }
0x6d: {  	s1 =	ssub.s32 @!p0 $0x0, s1;
	[sflag:s0] =	ssyncset.done @!p0 $0x0  }
0x6e: {  	[sflag:s0] =	ssyncadd.s32 @!p0 s1  }
0x6f: {  	[bflag:$0x3] =	sbarrier.arrive $0xFFFF  }
0x70: {  	_ =	shalt  }

</sc_bundles>
